<compile_context>
chip_gen: v7x
topology: tpu7x:2x2x1
jax: 0.10.2.dev20260603
libtpu: 0.0.44.dev20260713+nightly
codegen_flags: <defaults>
</compile_context>

<pallas_src>
import jax
import jax.numpy as jnp
from jax import lax
from jax.experimental import pallas as pl
from jax.experimental.pallas import tpu as pltpu
from jax.experimental.pallas import tpu_sc as plsc

_VOCAB = 1000000
_EMBED = 64
_BATCH = 16384
_SEQ = 200
_ROWS = 128
_NUM_BLOCKS = _BATCH // _ROWS
_NC, _NS = 2, 16
_NW = _NC * _NS
_BPW = _NUM_BLOCKS // _NW
_HALF = _BATCH // 2
_HBLK = _NUM_BLOCKS // 2


_BLK_IDX = _SEQ * _ROWS


def _sc_body(xb_hbm, table_hbm, out_hbm, idx_v, acc_v, sem_idx, sem_g):
    wid = lax.axis_index("s") * _NC + lax.axis_index("c")

    pltpu.sync_copy(
        xb_hbm.at[pl.ds(wid * _BPW * _BLK_IDX, _BLK_IDX)], idx_v.at[0])

    for t in range(_BPW):
        slot = t % 2
        g = wid * _BPW + t
        if t + 1 < _BPW:
            idx_cp = pltpu.async_copy(
                xb_hbm.at[pl.ds((g + 1) * _BLK_IDX, _BLK_IDX)],
                idx_v.at[1 - slot], sem_idx)

        pltpu.async_copy(
            table_hbm.at[idx_v.at[slot, pl.ds(0, _ROWS)]], acc_v,
            sem_g).wait()

        def _fire(s, carry):
            pltpu.async_copy(
                table_hbm.at[idx_v.at[slot, pl.ds(s * _ROWS, _ROWS)]],
                acc_v, sem_g, add=True)
            return carry
        lax.fori_loop(1, _SEQ, _fire, 0)

        def _drain(s, carry):
            pltpu.make_async_copy(
                table_hbm.at[idx_v.at[slot, pl.ds(0, _ROWS)]], acc_v,
                sem_g).wait()
            return carry
        lax.fori_loop(1, _SEQ, _drain, 0)

        pltpu.sync_copy(
            acc_v,
            out_hbm.at[pl.ds((g % _HBLK) * _ROWS, _ROWS),
                       pl.ds(_EMBED * (g // _HBLK), _EMBED)])
        if t + 1 < _BPW:
            idx_cp.wait()


def _sc_pool(xb, table):
    mesh = plsc.VectorSubcoreMesh(core_axis_name="c", subcore_axis_name="s")
    f = pl.kernel(
        _sc_body,
        out_type=jax.ShapeDtypeStruct((_HALF, 2 * _EMBED), jnp.float32),
        mesh=mesh,
        scratch_types=[
            pltpu.VMEM((2, _BLK_IDX), jnp.int32),
            pltpu.VMEM((_ROWS, _EMBED), jnp.float32),
            pltpu.SemaphoreType.DMA,
            pltpu.SemaphoreType.DMA,
        ],
        compiler_params=pltpu.CompilerParams(use_tc_tiling_on_sc=False),
    )
    return f(xb, table)


def _tc_transpose_body(x_ref, o_ref):
    o_ref[0] = x_ref[...].T


def _tc_transpose(x):
    return pl.pallas_call(
        _tc_transpose_body,
        grid=(_NUM_BLOCKS,),
        in_specs=[pl.BlockSpec((_ROWS, _SEQ), lambda i: (i, 0))],
        out_specs=pl.BlockSpec((1, _SEQ, _ROWS), lambda i: (i, 0, 0)),
        out_shape=jax.ShapeDtypeStruct((_NUM_BLOCKS, _SEQ, _ROWS), jnp.int32),
    )(x)


def _tc_head_body(xa_ref, xb_ref, sp_ref, w1p_ref, b1p_ref, w2p_ref, b2_ref,
                  o_ref):
    cnt_a = jnp.sum((xa_ref[...] != 0).astype(jnp.float32), axis=1,
                    keepdims=True)
    cnt_b = jnp.sum((xb_ref[...] != 0).astype(jnp.float32), axis=1,
                    keepdims=True)
    n = sp_ref.shape[0]
    inv = jnp.concatenate(
        [jnp.broadcast_to(1.0 / jnp.maximum(cnt_a, 1.0), (n, _EMBED)),
         jnp.broadcast_to(1.0 / jnp.maximum(cnt_b, 1.0), (n, _EMBED))],
        axis=1)
    pooled = sp_ref[...] * inv
    h = jnp.dot(pooled, w1p_ref[...], preferred_element_type=jnp.float32)
    h = jnp.maximum(h + b1p_ref[...], 0.0)
    o_ref[...] = (
        jnp.dot(h, w2p_ref[...], preferred_element_type=jnp.float32)
        + b2_ref[...])


def _tc_head(x, sp, w1p, b1p, w2p, b2):
    blk = 1024
    nblk = _HALF // blk
    return pl.pallas_call(
        _tc_head_body,
        grid=(nblk,),
        in_specs=[
            pl.BlockSpec((blk, _SEQ), lambda i: (i, 0)),
            pl.BlockSpec((blk, _SEQ), lambda i: (i + nblk, 0)),
            pl.BlockSpec((blk, 2 * _EMBED), lambda i: (i, 0)),
            pl.BlockSpec((2 * _EMBED, 2 * _EMBED), lambda i: (0, 0)),
            pl.BlockSpec((1, 2 * _EMBED), lambda i: (0, 0)),
            pl.BlockSpec((2 * _EMBED, 2), lambda i: (0, 0)),
            pl.BlockSpec((1, 2), lambda i: (0, 0)),
        ],
        out_specs=pl.BlockSpec((blk, 2), lambda i: (i, 0)),
        out_shape=jax.ShapeDtypeStruct((_HALF, 2), jnp.float32),
    )(x, x, sp, w1p, b1p, w2p, b2)


def kernel(x, table, W1, b1, W2, b2):
    xb = _tc_transpose(x).reshape(-1)
    sp = _sc_pool(xb, table)
    z = jnp.zeros((_EMBED, _EMBED), jnp.float32)
    w1p = jnp.block([[W1.T, z], [z, W1.T]])
    b1p = jnp.concatenate([b1, b1]).reshape(1, 2 * _EMBED)
    zc = jnp.zeros((_EMBED, 1), jnp.float32)
    w2p = jnp.block([[W2.T, zc], [zc, W2.T]])
    b2p = jnp.broadcast_to(b2.reshape(1, 1), (1, 2))
    out2 = _tc_head(x, sp, w1p, b1p, w2p, b2p)
    return jnp.concatenate([out2[:, :1], out2[:, 1:]], axis=0)

# --- scband reference (transcript-rebuilt; emitter-appended) ---
"""Pipeline reference for scband-embedding-classifier-36825049595965 (READ-ONLY COPY).

The authoritative reference and input builder live on the scoring server;
editing this copy changes nothing except your own understanding.
"""

import jax, jax.numpy as jnp
import numpy as np

VOCAB = 1000000
EMBED = 64
HIDDEN = 64
OUT = 1
BATCH = 16384
SEQ = 200
PAD = 0


def setup_inputs(seed: int = 0) -> dict:
    key = jax.random.key(seed)
    k1, k2, k3, k4, k5, k6 = jax.random.split(key, 6)
    x = jax.random.randint(k1, (BATCH, SEQ), 0, VOCAB, dtype=jnp.int32)
    table = jax.random.normal(k2, (VOCAB, EMBED), dtype=jnp.float32)
    # nn.Embedding zeroes the padding_idx row at init
    table = table.at[PAD].set(0.0)
    W1 = jax.random.normal(k3, (HIDDEN, EMBED), dtype=jnp.float32) * (1.0 / np.sqrt(EMBED))
    b1 = jax.random.normal(k4, (HIDDEN,), dtype=jnp.float32) * 0.01
    W2 = jax.random.normal(k5, (OUT, HIDDEN), dtype=jnp.float32) * (1.0 / np.sqrt(HIDDEN))
    b2 = jax.random.normal(k6, (OUT,), dtype=jnp.float32) * 0.01
    return {"x": x, "table": table, "W1": W1, "b1": b1, "W2": W2, "b2": b2}


def reference(x, table, W1, b1, W2, b2):
    # Embedding gather
    embedded = jnp.take(table, x, axis=0)  # (B, S, E)
    # Dropout is identity in eval mode
    mask = (x != PAD)[..., None].astype(jnp.float32)  # (B, S, 1)
    summed = (embedded * mask).sum(axis=1)  # (B, E)
    lengths = jnp.clip(mask.sum(axis=1), 1.0, None)  # (B, 1)
    pooled = summed / lengths
    h = jnp.maximum(pooled @ W1.T + b1, 0.0)
    logits = h @ W2.T + b2
    return logits

if __name__ == "__main__":
    import jax
    _d = setup_inputs()
    print(jax.jit(kernel)(*tuple(_d.values())))

</pallas_src>

<mosaic_0001>
#map = affine_map<(d0, d1) -> (0)>
#map1 = affine_map<(d0, d1) -> (0, 0)>
module attributes {stable_mosaic.version = 14 : i64} {
  func.func @_sc_body(%arg0: i32, %arg1: i32, %arg2: memref<3276800xi32, #tpu.memory_space<hbm>>, %arg3: memref<1000000x64xf32, #tpu.memory_space<hbm>>, %arg4: memref<8192x128xf32, #tpu.memory_space<hbm>>, %arg5: memref<2x25600xi32, #tpu.memory_space<vmem>>, %arg6: memref<128x64xf32, #tpu.memory_space<vmem>>, %arg7: memref<!tpu.dma_semaphore, #tpu.memory_space<semaphore_mem>>, %arg8: memref<!tpu.dma_semaphore, #tpu.memory_space<semaphore_mem>>) attributes {dimension_semantics = [#tpu.dimension_semantics<core_parallel>, #tpu.dimension_semantics<subcore_parallel>], iteration_bounds = array<i64: 2, 16>, scalar_prefetch = 0 : i64, scratch_operands = 4 : i64, tpu.core_type = #tpu.core_type<sc_vector_subcore>, window_params = [{transform_indices = #map}, {transform_indices = #map1}, {transform_indices = #map1}]} {
    %mul3A = arith.constant 2 : i32
    %mul3A_0 = arith.muli %arg1, %mul3A : i32
    %add3A = arith.addi %mul3A_0, %arg0 : i32
    %mul3A_1 = arith.constant 4 : i32
    %mul3A_2 = arith.muli %add3A, %mul3A_1 : i32
    %mul3A_3 = arith.constant 25600 : i32
    %mul3A_4 = arith.muli %mul3A_2, %mul3A_3 : i32
    %run_scoped3A = arith.constant 0 : i32
    "tpu.region"() ({
      %run_scoped3A_354 = tpu.sem_alloc : memref<!tpu.dma_semaphore, #tpu.memory_space<semaphore_mem>>
      %dma_start3A_355 = arith.constant 0 : i32
      %dma_start3A_356 = tpu.memref_slice %arg5[%run_scoped3A, %dma_start3A_355] : memref<2x25600xi32, #tpu.memory_space<vmem>> -> memref<1x25600xi32, #tpu.memory_space<vmem>>
      %dma_start3A_357 = tpu.memref_squeeze %dma_start3A_356 : memref<1x25600xi32, #tpu.memory_space<vmem>> -> memref<25600xi32, #tpu.memory_space<vmem>>
      %dma_start3A_358 = tpu.memref_slice %arg2[%mul3A_4] : memref<3276800xi32, #tpu.memory_space<hbm>> -> memref<25600xi32, #tpu.memory_space<hbm>>
      %dma_start3A_359 = arith.constant 0 : i32
      %dma_start3A_360 = tpu.memref_slice %arg5[%run_scoped3A, %dma_start3A_359] : memref<2x25600xi32, #tpu.memory_space<vmem>> -> memref<1x25600xi32, #tpu.memory_space<vmem>>
      %dma_start3A_361 = tpu.memref_squeeze %dma_start3A_360 : memref<1x25600xi32, #tpu.memory_space<vmem>> -> memref<25600xi32, #tpu.memory_space<vmem>>
      %dma_start3A_362 = tpu.memref_slice %arg2[%mul3A_4] : memref<3276800xi32, #tpu.memory_space<hbm>> -> memref<25600xi32, #tpu.memory_space<hbm>>
      tpu.enqueue_dma source(%dma_start3A_362 : memref<25600xi32, #tpu.memory_space<hbm>>) target(%dma_start3A_361 : memref<25600xi32, #tpu.memory_space<vmem>>) target_semaphore(%run_scoped3A_354 : memref<!tpu.dma_semaphore, #tpu.memory_space<semaphore_mem>>)
      %dma_wait3A_363 = arith.constant 0 : i32
      %dma_wait3A_364 = tpu.memref_slice %arg5[%run_scoped3A, %dma_wait3A_363] : memref<2x25600xi32, #tpu.memory_space<vmem>> -> memref<1x25600xi32, #tpu.memory_space<vmem>>
      %dma_wait3A_365 = tpu.memref_squeeze %dma_wait3A_364 : memref<1x25600xi32, #tpu.memory_space<vmem>> -> memref<25600xi32, #tpu.memory_space<vmem>>
      %dma_wait3A_366 = tpu.memref_slice %arg2[%mul3A_4] : memref<3276800xi32, #tpu.memory_space<hbm>> -> memref<25600xi32, #tpu.memory_space<hbm>>
      %dma_wait3A_367 = arith.constant 0 : i32
      %dma_wait3A_368 = tpu.memref_slice %arg5[%run_scoped3A, %dma_wait3A_367] : memref<2x25600xi32, #tpu.memory_space<vmem>> -> memref<1x25600xi32, #tpu.memory_space<vmem>>
      %dma_wait3A_369 = tpu.memref_squeeze %dma_wait3A_368 : memref<1x25600xi32, #tpu.memory_space<vmem>> -> memref<25600xi32, #tpu.memory_space<vmem>>
      %dma_wait3A_370 = tpu.memref_slice %arg2[%mul3A_4] : memref<3276800xi32, #tpu.memory_space<hbm>> -> memref<25600xi32, #tpu.memory_space<hbm>>
      tpu.wait_dma2 semaphore(%run_scoped3A_354 : memref<!tpu.dma_semaphore, #tpu.memory_space<semaphore_mem>>) src(%dma_wait3A_370 : memref<25600xi32, #tpu.memory_space<hbm>>) dst(%dma_wait3A_369 : memref<25600xi32, #tpu.memory_space<vmem>>)
      tpu.yield
    }) : () -> ()
    %mul3A_5 = arith.constant 4 : i32
    %mul3A_6 = arith.muli %add3A, %mul3A_5 : i32
    %add3A_7 = arith.constant 0 : i32
    %add3A_8 = arith.addi %mul3A_6, %add3A_7 : i32
    %add3A_9 = arith.constant 1 : i32
    %add3A_10 = arith.addi %add3A_8, %add3A_9 : i32
    %mul3A_11 = arith.constant 25600 : i32
    %mul3A_12 = arith.muli %add3A_10, %mul3A_11 : i32
    %dma_start3A = arith.constant 1 : i32
    %dma_start3A_13 = arith.constant 0 : i32
    %dma_start3A_14 = tpu.memref_slice %arg5[%dma_start3A, %dma_start3A_13] : memref<2x25600xi32, #tpu.memory_space<vmem>> -> memref<1x25600xi32, #tpu.memory_space<vmem>>
    %dma_start3A_15 = tpu.memref_squeeze %dma_start3A_14 : memref<1x25600xi32, #tpu.memory_space<vmem>> -> memref<25600xi32, #tpu.memory_space<vmem>>
    %dma_start3A_16 = tpu.memref_slice %arg2[%mul3A_12] : memref<3276800xi32, #tpu.memory_space<hbm>> -> memref<25600xi32, #tpu.memory_space<hbm>>
    %dma_start3A_17 = arith.constant 0 : i32
    %dma_start3A_18 = tpu.memref_slice %arg5[%dma_start3A, %dma_start3A_17] : memref<2x25600xi32, #tpu.memory_space<vmem>> -> memref<1x25600xi32, #tpu.memory_space<vmem>>
    %dma_start3A_19 = tpu.memref_squeeze %dma_start3A_18 : memref<1x25600xi32, #tpu.memory_space<vmem>> -> memref<25600xi32, #tpu.memory_space<vmem>>
    %dma_start3A_20 = tpu.memref_slice %arg2[%mul3A_12] : memref<3276800xi32, #tpu.memory_space<hbm>> -> memref<25600xi32, #tpu.memory_space<hbm>>
    tpu.enqueue_dma source(%dma_start3A_20 : memref<25600xi32, #tpu.memory_space<hbm>>) target(%dma_start3A_19 : memref<25600xi32, #tpu.memory_space<vmem>>) target_semaphore(%arg7 : memref<!tpu.dma_semaphore, #tpu.memory_space<semaphore_mem>>)
    %dma_start3A_21 = arith.constant 0 : i32
    %dma_start3A_22 = arith.constant 0 : i32
    %dma_start3A_23 = tpu.memref_slice %arg5[%dma_start3A_21, %dma_start3A_22] : memref<2x25600xi32, #tpu.memory_space<vmem>> -> memref<1x128xi32, #tpu.memory_space<vmem>>
    %dma_start3A_24 = tpu.memref_squeeze %dma_start3A_23 : memref<1x128xi32, #tpu.memory_space<vmem>> -> memref<128xi32, #tpu.memory_space<vmem>>
    %dma_start3A_25 = arith.constant 0 : i32
    %dma_start3A_26 = arith.constant 0 : i32
    %dma_start3A_27 = tpu.memref_slice %arg3[%dma_start3A_25, %dma_start3A_26] : memref<1000000x64xf32, #tpu.memory_space<hbm>> -> memref<1000000x64xf32, #tpu.memory_space<hbm>>
    tpu.enqueue_indirect_dma source(%dma_start3A_27 : memref<1000000x64xf32, #tpu.memory_space<hbm>>) target(%arg6 : memref<128x64xf32, #tpu.memory_space<vmem>>) offsets(%dma_start3A_24 : memref<128xi32, #tpu.memory_space<vmem>>) semaphore(%arg8 : memref<!tpu.dma_semaphore, #tpu.memory_space<semaphore_mem>>)
    %dma_wait3A = arith.constant 0 : i32
    %dma_wait3A_28 = arith.constant 0 : i32
    %dma_wait3A_29 = tpu.memref_slice %arg5[%dma_wait3A, %dma_wait3A_28] : memref<2x25600xi32, #tpu.memory_space<vmem>> -> memref<1x128xi32, #tpu.memory_space<vmem>>
    %dma_wait3A_30 = tpu.memref_squeeze %dma_wait3A_29 : memref<1x128xi32, #tpu.memory_space<vmem>> -> memref<128xi32, #tpu.memory_space<vmem>>
    %dma_wait3A_31 = arith.constant 0 : i32
    %dma_wait3A_32 = arith.constant 0 : i32
    %dma_wait3A_33 = tpu.memref_slice %arg3[%dma_wait3A_31, %dma_wait3A_32] : memref<1000000x64xf32, #tpu.memory_space<hbm>> -> memref<1000000x64xf32, #tpu.memory_space<hbm>>
    tpu.wait_indirect_dma semaphore(%arg8 : memref<!tpu.dma_semaphore, #tpu.memory_space<semaphore_mem>>) src(%dma_wait3A_33 : memref<1000000x64xf32, #tpu.memory_space<hbm>>) dst(%arg6 : memref<128x64xf32, #tpu.memory_space<vmem>>)
    %scan3A = arith.constant 0 : i32
    %scan3A_34 = arith.constant 1 : i32
    %scan3A_35 = arith.constant 199 : i32
    %scan3A_36 = arith.addi %scan3A_34, %scan3A_35 : i32
    %scan3A_37 = arith.constant 1 : i32
    scf.for %scan3A_354 = %scan3A_34 to %scan3A_36 step %scan3A_37  : i32 {
      %mul3A_355 = arith.constant 128 : i32
      %mul3A_356 = arith.muli %scan3A_354, %mul3A_355 : i32
      %dma_start3A_357 = arith.constant 0 : i32
      %dma_start3A_358 = tpu.memref_slice %arg5[%dma_start3A_357, %mul3A_356] : memref<2x25600xi32, #tpu.memory_space<vmem>> -> memref<1x128xi32, #tpu.memory_space<vmem>>
      %dma_start3A_359 = tpu.memref_squeeze %dma_start3A_358 : memref<1x128xi32, #tpu.memory_space<vmem>> -> memref<128xi32, #tpu.memory_space<vmem>>
      %dma_start3A_360 = arith.constant 0 : i32
      %dma_start3A_361 = arith.constant 0 : i32
      %dma_start3A_362 = tpu.memref_slice %arg3[%dma_start3A_360, %dma_start3A_361] : memref<1000000x64xf32, #tpu.memory_space<hbm>> -> memref<1000000x64xf32, #tpu.memory_space<hbm>>
      tpu.enqueue_indirect_dma source(%dma_start3A_362 : memref<1000000x64xf32, #tpu.memory_space<hbm>>) target(%arg6 : memref<128x64xf32, #tpu.memory_space<vmem>>) offsets(%dma_start3A_359 : memref<128xi32, #tpu.memory_space<vmem>>) semaphore(%arg8 : memref<!tpu.dma_semaphore, #tpu.memory_space<semaphore_mem>>) {add = true}
    }
    %scan3A_38 = arith.constant 199 : i32
    %scan3A_39 = arith.constant 0 : i32
    %scan3A_40 = arith.constant 1 : i32
    %scan3A_41 = arith.constant 199 : i32
    %scan3A_42 = arith.addi %scan3A_40, %scan3A_41 : i32
    %scan3A_43 = arith.constant 1 : i32
    scf.for %scan3A_354 = %scan3A_40 to %scan3A_42 step %scan3A_43  : i32 {
      %dma_wait3A_355 = arith.constant 0 : i32
      %dma_wait3A_356 = arith.constant 0 : i32
      %dma_wait3A_357 = tpu.memref_slice %arg5[%dma_wait3A_355, %dma_wait3A_356] : memref<2x25600xi32, #tpu.memory_space<vmem>> -> memref<1x128xi32, #tpu.memory_space<vmem>>
      %dma_wait3A_358 = tpu.memref_squeeze %dma_wait3A_357 : memref<1x128xi32, #tpu.memory_space<vmem>> -> memref<128xi32, #tpu.memory_space<vmem>>
      %dma_wait3A_359 = arith.constant 0 : i32
      %dma_wait3A_360 = arith.constant 0 : i32
      %dma_wait3A_361 = tpu.memref_slice %arg3[%dma_wait3A_359, %dma_wait3A_360] : memref<1000000x64xf32, #tpu.memory_space<hbm>> -> memref<1000000x64xf32, #tpu.memory_space<hbm>>
      tpu.wait_indirect_dma semaphore(%arg8 : memref<!tpu.dma_semaphore, #tpu.memory_space<semaphore_mem>>) src(%dma_wait3A_361 : memref<1000000x64xf32, #tpu.memory_space<hbm>>) dst(%arg6 : memref<128x64xf32, #tpu.memory_space<vmem>>)
    }
    %scan3A_44 = arith.constant 199 : i32
    %jit3A = arith.constant 64 : i32
    %eq3A = arith.constant 0 : i32
    %eq3A_45 = arith.cmpi eq, %jit3A, %eq3A : i32
    %jit3A_46 = arith.constant 1 : i32
    %select_n3A = arith.select %eq3A_45, %jit3A_46, %jit3A : i32
    %rem3A = arith.remsi %add3A_8, %select_n3A : i32
    %ne3A = arith.constant 0 : i32
    %ne3A_47 = arith.cmpi ne, %rem3A, %ne3A : i32
    %lt3A = arith.constant 0 : i32
    %lt3A_48 = arith.cmpi slt, %rem3A, %lt3A : i32
    %lt3A_49 = arith.constant 0 : i32
    %lt3A_50 = arith.cmpi slt, %select_n3A, %lt3A_49 : i32
    %ne3A_51 = arith.xori %lt3A_48, %lt3A_50 : i1
    %and3A = arith.andi %ne3A_51, %ne3A_47 : i1
    %add3A_52 = arith.addi %rem3A, %select_n3A : i32
    %select_n3A_53 = arith.select %and3A, %add3A_52, %rem3A : i32
    %mul3A_54 = arith.constant 128 : i32
    %mul3A_55 = arith.muli %select_n3A_53, %mul3A_54 : i32
    %jit3A_56 = arith.constant 64 : i32
    %div3A = arith.divsi %add3A_8, %jit3A_56 : i32
    %sign3A = arith.constant 0 : i32
    %sign3A_57 = arith.cmpi sgt, %add3A_8, %sign3A : i32
    %sign3A_58 = arith.extui %sign3A_57 : i1 to i32
    %sign3A_59 = arith.constant 0 : i32
    %sign3A_60 = arith.cmpi slt, %add3A_8, %sign3A_59 : i32
    %sign3A_61 = arith.extui %sign3A_60 : i1 to i32
    %sign3A_62 = arith.subi %sign3A_58, %sign3A_61 : i32
    %sign3A_63 = arith.constant 0 : i32
    %sign3A_64 = arith.cmpi sgt, %jit3A_56, %sign3A_63 : i32
    %sign3A_65 = arith.extui %sign3A_64 : i1 to i32
    %sign3A_66 = arith.constant 0 : i32
    %sign3A_67 = arith.cmpi slt, %jit3A_56, %sign3A_66 : i32
    %sign3A_68 = arith.extui %sign3A_67 : i1 to i32
    %sign3A_69 = arith.subi %sign3A_65, %sign3A_68 : i32
    %ne3A_70 = arith.cmpi ne, %sign3A_62, %sign3A_69 : i32
    %rem3A_71 = arith.remsi %add3A_8, %jit3A_56 : i32
    %ne3A_72 = arith.constant 0 : i32
    %ne3A_73 = arith.cmpi ne, %rem3A_71, %ne3A_72 : i32
    %and3A_74 = arith.andi %ne3A_70, %ne3A_73 : i1
    %sub3A = arith.constant 1 : i32
    %sub3A_75 = arith.subi %div3A, %sub3A : i32
    %select_n3A_76 = arith.select %and3A_74, %sub3A_75, %div3A : i32
    %mul3A_77 = arith.constant 64 : i32
    %mul3A_78 = arith.muli %mul3A_77, %select_n3A_76 : i32
    "tpu.region"() ({
      %run_scoped3A_354 = tpu.sem_alloc : memref<!tpu.dma_semaphore, #tpu.memory_space<semaphore_mem>>
      %dma_start3A_355 = tpu.memref_slice %arg4[%mul3A_55, %mul3A_78] : memref<8192x128xf32, #tpu.memory_space<hbm>> -> memref<128x64xf32, #tpu.memory_space<hbm>>
      %dma_start3A_356 = tpu.memref_slice %arg4[%mul3A_55, %mul3A_78] : memref<8192x128xf32, #tpu.memory_space<hbm>> -> memref<128x64xf32, #tpu.memory_space<hbm>>
      tpu.enqueue_dma source(%arg6 : memref<128x64xf32, #tpu.memory_space<vmem>>) target(%dma_start3A_356 : memref<128x64xf32, #tpu.memory_space<hbm>>) target_semaphore(%run_scoped3A_354 : memref<!tpu.dma_semaphore, #tpu.memory_space<semaphore_mem>>)
      %dma_wait3A_357 = tpu.memref_slice %arg4[%mul3A_55, %mul3A_78] : memref<8192x128xf32, #tpu.memory_space<hbm>> -> memref<128x64xf32, #tpu.memory_space<hbm>>
      %dma_wait3A_358 = tpu.memref_slice %arg4[%mul3A_55, %mul3A_78] : memref<8192x128xf32, #tpu.memory_space<hbm>> -> memref<128x64xf32, #tpu.memory_space<hbm>>
      tpu.wait_dma2 semaphore(%run_scoped3A_354 : memref<!tpu.dma_semaphore, #tpu.memory_space<semaphore_mem>>) src(%arg6 : memref<128x64xf32, #tpu.memory_space<vmem>>) dst(%dma_wait3A_358 : memref<128x64xf32, #tpu.memory_space<hbm>>)
      tpu.yield
    }) : () -> ()
    %dma_wait3A_79 = arith.constant 1 : i32
    %dma_wait3A_80 = arith.constant 0 : i32
    %dma_wait3A_81 = tpu.memref_slice %arg5[%dma_wait3A_79, %dma_wait3A_80] : memref<2x25600xi32, #tpu.memory_space<vmem>> -> memref<1x25600xi32, #tpu.memory_space<vmem>>
    %dma_wait3A_82 = tpu.memref_squeeze %dma_wait3A_81 : memref<1x25600xi32, #tpu.memory_space<vmem>> -> memref<25600xi32, #tpu.memory_space<vmem>>
    %dma_wait3A_83 = tpu.memref_slice %arg2[%mul3A_12] : memref<3276800xi32, #tpu.memory_space<hbm>> -> memref<25600xi32, #tpu.memory_space<hbm>>
    %dma_wait3A_84 = arith.constant 0 : i32
    %dma_wait3A_85 = tpu.memref_slice %arg5[%dma_wait3A_79, %dma_wait3A_84] : memref<2x25600xi32, #tpu.memory_space<vmem>> -> memref<1x25600xi32, #tpu.memory_space<vmem>>
    %dma_wait3A_86 = tpu.memref_squeeze %dma_wait3A_85 : memref<1x25600xi32, #tpu.memory_space<vmem>> -> memref<25600xi32, #tpu.memory_space<vmem>>
    %dma_wait3A_87 = tpu.memref_slice %arg2[%mul3A_12] : memref<3276800xi32, #tpu.memory_space<hbm>> -> memref<25600xi32, #tpu.memory_space<hbm>>
    tpu.wait_dma2 semaphore(%arg7 : memref<!tpu.dma_semaphore, #tpu.memory_space<semaphore_mem>>) src(%dma_wait3A_87 : memref<25600xi32, #tpu.memory_space<hbm>>) dst(%dma_wait3A_86 : memref<25600xi32, #tpu.memory_space<vmem>>)
    %mul3A_88 = arith.constant 4 : i32
    %mul3A_89 = arith.muli %add3A, %mul3A_88 : i32
    %add3A_90 = arith.constant 1 : i32
    %add3A_91 = arith.addi %mul3A_89, %add3A_90 : i32
    %add3A_92 = arith.constant 1 : i32
    %add3A_93 = arith.addi %add3A_91, %add3A_92 : i32
    %mul3A_94 = arith.constant 25600 : i32
    %mul3A_95 = arith.muli %add3A_93, %mul3A_94 : i32
    %dma_start3A_96 = arith.constant 0 : i32
    %dma_start3A_97 = arith.constant 0 : i32
    %dma_start3A_98 = tpu.memref_slice %arg5[%dma_start3A_96, %dma_start3A_97] : memref<2x25600xi32, #tpu.memory_space<vmem>> -> memref<1x25600xi32, #tpu.memory_space<vmem>>
    %dma_start3A_99 = tpu.memref_squeeze %dma_start3A_98 : memref<1x25600xi32, #tpu.memory_space<vmem>> -> memref<25600xi32, #tpu.memory_space<vmem>>
    %dma_start3A_100 = tpu.memref_slice %arg2[%mul3A_95] : memref<3276800xi32, #tpu.memory_space<hbm>> -> memref<25600xi32, #tpu.memory_space<hbm>>
    %dma_start3A_101 = arith.constant 0 : i32
    %dma_start3A_102 = tpu.memref_slice %arg5[%dma_start3A_96, %dma_start3A_101] : memref<2x25600xi32, #tpu.memory_space<vmem>> -> memref<1x25600xi32, #tpu.memory_space<vmem>>
    %dma_start3A_103 = tpu.memref_squeeze %dma_start3A_102 : memref<1x25600xi32, #tpu.memory_space<vmem>> -> memref<25600xi32, #tpu.memory_space<vmem>>
    %dma_start3A_104 = tpu.memref_slice %arg2[%mul3A_95] : memref<3276800xi32, #tpu.memory_space<hbm>> -> memref<25600xi32, #tpu.memory_space<hbm>>
    tpu.enqueue_dma source(%dma_start3A_104 : memref<25600xi32, #tpu.memory_space<hbm>>) target(%dma_start3A_103 : memref<25600xi32, #tpu.memory_space<vmem>>) target_semaphore(%arg7 : memref<!tpu.dma_semaphore, #tpu.memory_space<semaphore_mem>>)
    %dma_start3A_105 = arith.constant 1 : i32
    %dma_start3A_106 = arith.constant 0 : i32
    %dma_start3A_107 = tpu.memref_slice %arg5[%dma_start3A_105, %dma_start3A_106] : memref<2x25600xi32, #tpu.memory_space<vmem>> -> memref<1x128xi32, #tpu.memory_space<vmem>>
    %dma_start3A_108 = tpu.memref_squeeze %dma_start3A_107 : memref<1x128xi32, #tpu.memory_space<vmem>> -> memref<128xi32, #tpu.memory_space<vmem>>
    %dma_start3A_109 = arith.constant 0 : i32
    %dma_start3A_110 = arith.constant 0 : i32
    %dma_start3A_111 = tpu.memref_slice %arg3[%dma_start3A_109, %dma_start3A_110] : memref<1000000x64xf32, #tpu.memory_space<hbm>> -> memref<1000000x64xf32, #tpu.memory_space<hbm>>
    tpu.enqueue_indirect_dma source(%dma_start3A_111 : memref<1000000x64xf32, #tpu.memory_space<hbm>>) target(%arg6 : memref<128x64xf32, #tpu.memory_space<vmem>>) offsets(%dma_start3A_108 : memref<128xi32, #tpu.memory_space<vmem>>) semaphore(%arg8 : memref<!tpu.dma_semaphore, #tpu.memory_space<semaphore_mem>>)
    %dma_wait3A_112 = arith.constant 1 : i32
    %dma_wait3A_113 = arith.constant 0 : i32
    %dma_wait3A_114 = tpu.memref_slice %arg5[%dma_wait3A_112, %dma_wait3A_113] : memref<2x25600xi32, #tpu.memory_space<vmem>> -> memref<1x128xi32, #tpu.memory_space<vmem>>
    %dma_wait3A_115 = tpu.memref_squeeze %dma_wait3A_114 : memref<1x128xi32, #tpu.memory_space<vmem>> -> memref<128xi32, #tpu.memory_space<vmem>>
    %dma_wait3A_116 = arith.constant 0 : i32
    %dma_wait3A_117 = arith.constant 0 : i32
    %dma_wait3A_118 = tpu.memref_slice %arg3[%dma_wait3A_116, %dma_wait3A_117] : memref<1000000x64xf32, #tpu.memory_space<hbm>> -> memref<1000000x64xf32, #tpu.memory_space<hbm>>
    tpu.wait_indirect_dma semaphore(%arg8 : memref<!tpu.dma_semaphore, #tpu.memory_space<semaphore_mem>>) src(%dma_wait3A_118 : memref<1000000x64xf32, #tpu.memory_space<hbm>>) dst(%arg6 : memref<128x64xf32, #tpu.memory_space<vmem>>)
    %scan3A_119 = arith.constant 0 : i32
    %scan3A_120 = arith.constant 1 : i32
    %scan3A_121 = arith.constant 199 : i32
    %scan3A_122 = arith.addi %scan3A_120, %scan3A_121 : i32
    %scan3A_123 = arith.constant 1 : i32
    scf.for %scan3A_354 = %scan3A_120 to %scan3A_122 step %scan3A_123  : i32 {
      %mul3A_355 = arith.constant 128 : i32
      %mul3A_356 = arith.muli %scan3A_354, %mul3A_355 : i32
      %dma_start3A_357 = arith.constant 1 : i32
      %dma_start3A_358 = tpu.memref_slice %arg5[%dma_start3A_357, %mul3A_356] : memref<2x25600xi32, #tpu.memory_space<vmem>> -> memref<1x128xi32, #tpu.memory_space<vmem>>
      %dma_start3A_359 = tpu.memref_squeeze %dma_start3A_358 : memref<1x128xi32, #tpu.memory_space<vmem>> -> memref<128xi32, #tpu.memory_space<vmem>>
      %dma_start3A_360 = arith.constant 0 : i32
      %dma_start3A_361 = arith.constant 0 : i32
      %dma_start3A_362 = tpu.memref_slice %arg3[%dma_start3A_360, %dma_start3A_361] : memref<1000000x64xf32, #tpu.memory_space<hbm>> -> memref<1000000x64xf32, #tpu.memory_space<hbm>>
      tpu.enqueue_indirect_dma source(%dma_start3A_362 : memref<1000000x64xf32, #tpu.memory_space<hbm>>) target(%arg6 : memref<128x64xf32, #tpu.memory_space<vmem>>) offsets(%dma_start3A_359 : memref<128xi32, #tpu.memory_space<vmem>>) semaphore(%arg8 : memref<!tpu.dma_semaphore, #tpu.memory_space<semaphore_mem>>) {add = true}
    }
    %scan3A_124 = arith.constant 199 : i32
    %scan3A_125 = arith.constant 0 : i32
    %scan3A_126 = arith.constant 1 : i32
    %scan3A_127 = arith.constant 199 : i32
    %scan3A_128 = arith.addi %scan3A_126, %scan3A_127 : i32
    %scan3A_129 = arith.constant 1 : i32
    scf.for %scan3A_354 = %scan3A_126 to %scan3A_128 step %scan3A_129  : i32 {
      %dma_wait3A_355 = arith.constant 1 : i32
      %dma_wait3A_356 = arith.constant 0 : i32
      %dma_wait3A_357 = tpu.memref_slice %arg5[%dma_wait3A_355, %dma_wait3A_356] : memref<2x25600xi32, #tpu.memory_space<vmem>> -> memref<1x128xi32, #tpu.memory_space<vmem>>
      %dma_wait3A_358 = tpu.memref_squeeze %dma_wait3A_357 : memref<1x128xi32, #tpu.memory_space<vmem>> -> memref<128xi32, #tpu.memory_space<vmem>>
      %dma_wait3A_359 = arith.constant 0 : i32
      %dma_wait3A_360 = arith.constant 0 : i32
      %dma_wait3A_361 = tpu.memref_slice %arg3[%dma_wait3A_359, %dma_wait3A_360] : memref<1000000x64xf32, #tpu.memory_space<hbm>> -> memref<1000000x64xf32, #tpu.memory_space<hbm>>
      tpu.wait_indirect_dma semaphore(%arg8 : memref<!tpu.dma_semaphore, #tpu.memory_space<semaphore_mem>>) src(%dma_wait3A_361 : memref<1000000x64xf32, #tpu.memory_space<hbm>>) dst(%arg6 : memref<128x64xf32, #tpu.memory_space<vmem>>)
    }
    %scan3A_130 = arith.constant 199 : i32
    %jit3A_131 = arith.constant 64 : i32
    %eq3A_132 = arith.constant 0 : i32
    %eq3A_133 = arith.cmpi eq, %jit3A_131, %eq3A_132 : i32
    %jit3A_134 = arith.constant 1 : i32
    %select_n3A_135 = arith.select %eq3A_133, %jit3A_134, %jit3A_131 : i32
    %rem3A_136 = arith.remsi %add3A_91, %select_n3A_135 : i32
    %ne3A_137 = arith.constant 0 : i32
    %ne3A_138 = arith.cmpi ne, %rem3A_136, %ne3A_137 : i32
    %lt3A_139 = arith.constant 0 : i32
    %lt3A_140 = arith.cmpi slt, %rem3A_136, %lt3A_139 : i32
    %lt3A_141 = arith.constant 0 : i32
    %lt3A_142 = arith.cmpi slt, %select_n3A_135, %lt3A_141 : i32
    %ne3A_143 = arith.xori %lt3A_140, %lt3A_142 : i1
    %and3A_144 = arith.andi %ne3A_143, %ne3A_138 : i1
    %add3A_145 = arith.addi %rem3A_136, %select_n3A_135 : i32
    %select_n3A_146 = arith.select %and3A_144, %add3A_145, %rem3A_136 : i32
    %mul3A_147 = arith.constant 128 : i32
    %mul3A_148 = arith.muli %select_n3A_146, %mul3A_147 : i32
    %jit3A_149 = arith.constant 64 : i32
    %div3A_150 = arith.divsi %add3A_91, %jit3A_149 : i32
    %sign3A_151 = arith.constant 0 : i32
    %sign3A_152 = arith.cmpi sgt, %add3A_91, %sign3A_151 : i32
    %sign3A_153 = arith.extui %sign3A_152 : i1 to i32
    %sign3A_154 = arith.constant 0 : i32
    %sign3A_155 = arith.cmpi slt, %add3A_91, %sign3A_154 : i32
    %sign3A_156 = arith.extui %sign3A_155 : i1 to i32
    %sign3A_157 = arith.subi %sign3A_153, %sign3A_156 : i32
    %sign3A_158 = arith.constant 0 : i32
    %sign3A_159 = arith.cmpi sgt, %jit3A_149, %sign3A_158 : i32
    %sign3A_160 = arith.extui %sign3A_159 : i1 to i32
    %sign3A_161 = arith.constant 0 : i32
    %sign3A_162 = arith.cmpi slt, %jit3A_149, %sign3A_161 : i32
    %sign3A_163 = arith.extui %sign3A_162 : i1 to i32
    %sign3A_164 = arith.subi %sign3A_160, %sign3A_163 : i32
    %ne3A_165 = arith.cmpi ne, %sign3A_157, %sign3A_164 : i32
    %rem3A_166 = arith.remsi %add3A_91, %jit3A_149 : i32
    %ne3A_167 = arith.constant 0 : i32
    %ne3A_168 = arith.cmpi ne, %rem3A_166, %ne3A_167 : i32
    %and3A_169 = arith.andi %ne3A_165, %ne3A_168 : i1
    %sub3A_170 = arith.constant 1 : i32
    %sub3A_171 = arith.subi %div3A_150, %sub3A_170 : i32
    %select_n3A_172 = arith.select %and3A_169, %sub3A_171, %div3A_150 : i32
    %mul3A_173 = arith.constant 64 : i32
    %mul3A_174 = arith.muli %mul3A_173, %select_n3A_172 : i32
    "tpu.region"() ({
      %run_scoped3A_354 = tpu.sem_alloc : memref<!tpu.dma_semaphore, #tpu.memory_space<semaphore_mem>>
      %dma_start3A_355 = tpu.memref_slice %arg4[%mul3A_148, %mul3A_174] : memref<8192x128xf32, #tpu.memory_space<hbm>> -> memref<128x64xf32, #tpu.memory_space<hbm>>
      %dma_start3A_356 = tpu.memref_slice %arg4[%mul3A_148, %mul3A_174] : memref<8192x128xf32, #tpu.memory_space<hbm>> -> memref<128x64xf32, #tpu.memory_space<hbm>>
      tpu.enqueue_dma source(%arg6 : memref<128x64xf32, #tpu.memory_space<vmem>>) target(%dma_start3A_356 : memref<128x64xf32, #tpu.memory_space<hbm>>) target_semaphore(%run_scoped3A_354 : memref<!tpu.dma_semaphore, #tpu.memory_space<semaphore_mem>>)
      %dma_wait3A_357 = tpu.memref_slice %arg4[%mul3A_148, %mul3A_174] : memref<8192x128xf32, #tpu.memory_space<hbm>> -> memref<128x64xf32, #tpu.memory_space<hbm>>
      %dma_wait3A_358 = tpu.memref_slice %arg4[%mul3A_148, %mul3A_174] : memref<8192x128xf32, #tpu.memory_space<hbm>> -> memref<128x64xf32, #tpu.memory_space<hbm>>
      tpu.wait_dma2 semaphore(%run_scoped3A_354 : memref<!tpu.dma_semaphore, #tpu.memory_space<semaphore_mem>>) src(%arg6 : memref<128x64xf32, #tpu.memory_space<vmem>>) dst(%dma_wait3A_358 : memref<128x64xf32, #tpu.memory_space<hbm>>)
      tpu.yield
    }) : () -> ()
    %dma_wait3A_175 = arith.constant 0 : i32
    %dma_wait3A_176 = arith.constant 0 : i32
    %dma_wait3A_177 = tpu.memref_slice %arg5[%dma_wait3A_175, %dma_wait3A_176] : memref<2x25600xi32, #tpu.memory_space<vmem>> -> memref<1x25600xi32, #tpu.memory_space<vmem>>
    %dma_wait3A_178 = tpu.memref_squeeze %dma_wait3A_177 : memref<1x25600xi32, #tpu.memory_space<vmem>> -> memref<25600xi32, #tpu.memory_space<vmem>>
    %dma_wait3A_179 = tpu.memref_slice %arg2[%mul3A_95] : memref<3276800xi32, #tpu.memory_space<hbm>> -> memref<25600xi32, #tpu.memory_space<hbm>>
    %dma_wait3A_180 = arith.constant 0 : i32
    %dma_wait3A_181 = tpu.memref_slice %arg5[%dma_wait3A_175, %dma_wait3A_180] : memref<2x25600xi32, #tpu.memory_space<vmem>> -> memref<1x25600xi32, #tpu.memory_space<vmem>>
    %dma_wait3A_182 = tpu.memref_squeeze %dma_wait3A_181 : memref<1x25600xi32, #tpu.memory_space<vmem>> -> memref<25600xi32, #tpu.memory_space<vmem>>
    %dma_wait3A_183 = tpu.memref_slice %arg2[%mul3A_95] : memref<3276800xi32, #tpu.memory_space<hbm>> -> memref<25600xi32, #tpu.memory_space<hbm>>
    tpu.wait_dma2 semaphore(%arg7 : memref<!tpu.dma_semaphore, #tpu.memory_space<semaphore_mem>>) src(%dma_wait3A_183 : memref<25600xi32, #tpu.memory_space<hbm>>) dst(%dma_wait3A_182 : memref<25600xi32, #tpu.memory_space<vmem>>)
    %mul3A_184 = arith.constant 4 : i32
    %mul3A_185 = arith.muli %add3A, %mul3A_184 : i32
    %add3A_186 = arith.constant 2 : i32
    %add3A_187 = arith.addi %mul3A_185, %add3A_186 : i32
    %add3A_188 = arith.constant 1 : i32
    %add3A_189 = arith.addi %add3A_187, %add3A_188 : i32
    %mul3A_190 = arith.constant 25600 : i32
    %mul3A_191 = arith.muli %add3A_189, %mul3A_190 : i32
    %dma_start3A_192 = arith.constant 1 : i32
    %dma_start3A_193 = arith.constant 0 : i32
    %dma_start3A_194 = tpu.memref_slice %arg5[%dma_start3A_192, %dma_start3A_193] : memref<2x25600xi32, #tpu.memory_space<vmem>> -> memref<1x25600xi32, #tpu.memory_space<vmem>>
    %dma_start3A_195 = tpu.memref_squeeze %dma_start3A_194 : memref<1x25600xi32, #tpu.memory_space<vmem>> -> memref<25600xi32, #tpu.memory_space<vmem>>
    %dma_start3A_196 = tpu.memref_slice %arg2[%mul3A_191] : memref<3276800xi32, #tpu.memory_space<hbm>> -> memref<25600xi32, #tpu.memory_space<hbm>>
    %dma_start3A_197 = arith.constant 0 : i32
    %dma_start3A_198 = tpu.memref_slice %arg5[%dma_start3A_192, %dma_start3A_197] : memref<2x25600xi32, #tpu.memory_space<vmem>> -> memref<1x25600xi32, #tpu.memory_space<vmem>>
    %dma_start3A_199 = tpu.memref_squeeze %dma_start3A_198 : memref<1x25600xi32, #tpu.memory_space<vmem>> -> memref<25600xi32, #tpu.memory_space<vmem>>
    %dma_start3A_200 = tpu.memref_slice %arg2[%mul3A_191] : memref<3276800xi32, #tpu.memory_space<hbm>> -> memref<25600xi32, #tpu.memory_space<hbm>>
    tpu.enqueue_dma source(%dma_start3A_200 : memref<25600xi32, #tpu.memory_space<hbm>>) target(%dma_start3A_199 : memref<25600xi32, #tpu.memory_space<vmem>>) target_semaphore(%arg7 : memref<!tpu.dma_semaphore, #tpu.memory_space<semaphore_mem>>)
    %dma_start3A_201 = arith.constant 0 : i32
    %dma_start3A_202 = arith.constant 0 : i32
    %dma_start3A_203 = tpu.memref_slice %arg5[%dma_start3A_201, %dma_start3A_202] : memref<2x25600xi32, #tpu.memory_space<vmem>> -> memref<1x128xi32, #tpu.memory_space<vmem>>
    %dma_start3A_204 = tpu.memref_squeeze %dma_start3A_203 : memref<1x128xi32, #tpu.memory_space<vmem>> -> memref<128xi32, #tpu.memory_space<vmem>>
    %dma_start3A_205 = arith.constant 0 : i32
    %dma_start3A_206 = arith.constant 0 : i32
    %dma_start3A_207 = tpu.memref_slice %arg3[%dma_start3A_205, %dma_start3A_206] : memref<1000000x64xf32, #tpu.memory_space<hbm>> -> memref<1000000x64xf32, #tpu.memory_space<hbm>>
    tpu.enqueue_indirect_dma source(%dma_start3A_207 : memref<1000000x64xf32, #tpu.memory_space<hbm>>) target(%arg6 : memref<128x64xf32, #tpu.memory_space<vmem>>) offsets(%dma_start3A_204 : memref<128xi32, #tpu.memory_space<vmem>>) semaphore(%arg8 : memref<!tpu.dma_semaphore, #tpu.memory_space<semaphore_mem>>)
    %dma_wait3A_208 = arith.constant 0 : i32
    %dma_wait3A_209 = arith.constant 0 : i32
    %dma_wait3A_210 = tpu.memref_slice %arg5[%dma_wait3A_208, %dma_wait3A_209] : memref<2x25600xi32, #tpu.memory_space<vmem>> -> memref<1x128xi32, #tpu.memory_space<vmem>>
    %dma_wait3A_211 = tpu.memref_squeeze %dma_wait3A_210 : memref<1x128xi32, #tpu.memory_space<vmem>> -> memref<128xi32, #tpu.memory_space<vmem>>
    %dma_wait3A_212 = arith.constant 0 : i32
    %dma_wait3A_213 = arith.constant 0 : i32
    %dma_wait3A_214 = tpu.memref_slice %arg3[%dma_wait3A_212, %dma_wait3A_213] : memref<1000000x64xf32, #tpu.memory_space<hbm>> -> memref<1000000x64xf32, #tpu.memory_space<hbm>>
    tpu.wait_indirect_dma semaphore(%arg8 : memref<!tpu.dma_semaphore, #tpu.memory_space<semaphore_mem>>) src(%dma_wait3A_214 : memref<1000000x64xf32, #tpu.memory_space<hbm>>) dst(%arg6 : memref<128x64xf32, #tpu.memory_space<vmem>>)
    %scan3A_215 = arith.constant 0 : i32
    %scan3A_216 = arith.constant 1 : i32
    %scan3A_217 = arith.constant 199 : i32
    %scan3A_218 = arith.addi %scan3A_216, %scan3A_217 : i32
    %scan3A_219 = arith.constant 1 : i32
    scf.for %scan3A_354 = %scan3A_216 to %scan3A_218 step %scan3A_219  : i32 {
      %mul3A_355 = arith.constant 128 : i32
      %mul3A_356 = arith.muli %scan3A_354, %mul3A_355 : i32
      %dma_start3A_357 = arith.constant 0 : i32
      %dma_start3A_358 = tpu.memref_slice %arg5[%dma_start3A_357, %mul3A_356] : memref<2x25600xi32, #tpu.memory_space<vmem>> -> memref<1x128xi32, #tpu.memory_space<vmem>>
      %dma_start3A_359 = tpu.memref_squeeze %dma_start3A_358 : memref<1x128xi32, #tpu.memory_space<vmem>> -> memref<128xi32, #tpu.memory_space<vmem>>
      %dma_start3A_360 = arith.constant 0 : i32
      %dma_start3A_361 = arith.constant 0 : i32
      %dma_start3A_362 = tpu.memref_slice %arg3[%dma_start3A_360, %dma_start3A_361] : memref<1000000x64xf32, #tpu.memory_space<hbm>> -> memref<1000000x64xf32, #tpu.memory_space<hbm>>
      tpu.enqueue_indirect_dma source(%dma_start3A_362 : memref<1000000x64xf32, #tpu.memory_space<hbm>>) target(%arg6 : memref<128x64xf32, #tpu.memory_space<vmem>>) offsets(%dma_start3A_359 : memref<128xi32, #tpu.memory_space<vmem>>) semaphore(%arg8 : memref<!tpu.dma_semaphore, #tpu.memory_space<semaphore_mem>>) {add = true}
    }
    %scan3A_220 = arith.constant 199 : i32
    %scan3A_221 = arith.constant 0 : i32
    %scan3A_222 = arith.constant 1 : i32
    %scan3A_223 = arith.constant 199 : i32
    %scan3A_224 = arith.addi %scan3A_222, %scan3A_223 : i32
    %scan3A_225 = arith.constant 1 : i32
    scf.for %scan3A_354 = %scan3A_222 to %scan3A_224 step %scan3A_225  : i32 {
      %dma_wait3A_355 = arith.constant 0 : i32
      %dma_wait3A_356 = arith.constant 0 : i32
      %dma_wait3A_357 = tpu.memref_slice %arg5[%dma_wait3A_355, %dma_wait3A_356] : memref<2x25600xi32, #tpu.memory_space<vmem>> -> memref<1x128xi32, #tpu.memory_space<vmem>>
      %dma_wait3A_358 = tpu.memref_squeeze %dma_wait3A_357 : memref<1x128xi32, #tpu.memory_space<vmem>> -> memref<128xi32, #tpu.memory_space<vmem>>
      %dma_wait3A_359 = arith.constant 0 : i32
      %dma_wait3A_360 = arith.constant 0 : i32
      %dma_wait3A_361 = tpu.memref_slice %arg3[%dma_wait3A_359, %dma_wait3A_360] : memref<1000000x64xf32, #tpu.memory_space<hbm>> -> memref<1000000x64xf32, #tpu.memory_space<hbm>>
      tpu.wait_indirect_dma semaphore(%arg8 : memref<!tpu.dma_semaphore, #tpu.memory_space<semaphore_mem>>) src(%dma_wait3A_361 : memref<1000000x64xf32, #tpu.memory_space<hbm>>) dst(%arg6 : memref<128x64xf32, #tpu.memory_space<vmem>>)
    }
    %scan3A_226 = arith.constant 199 : i32
    %jit3A_227 = arith.constant 64 : i32
    %eq3A_228 = arith.constant 0 : i32
    %eq3A_229 = arith.cmpi eq, %jit3A_227, %eq3A_228 : i32
    %jit3A_230 = arith.constant 1 : i32
    %select_n3A_231 = arith.select %eq3A_229, %jit3A_230, %jit3A_227 : i32
    %rem3A_232 = arith.remsi %add3A_187, %select_n3A_231 : i32
    %ne3A_233 = arith.constant 0 : i32
    %ne3A_234 = arith.cmpi ne, %rem3A_232, %ne3A_233 : i32
    %lt3A_235 = arith.constant 0 : i32
    %lt3A_236 = arith.cmpi slt, %rem3A_232, %lt3A_235 : i32
    %lt3A_237 = arith.constant 0 : i32
    %lt3A_238 = arith.cmpi slt, %select_n3A_231, %lt3A_237 : i32
    %ne3A_239 = arith.xori %lt3A_236, %lt3A_238 : i1
    %and3A_240 = arith.andi %ne3A_239, %ne3A_234 : i1
    %add3A_241 = arith.addi %rem3A_232, %select_n3A_231 : i32
    %select_n3A_242 = arith.select %and3A_240, %add3A_241, %rem3A_232 : i32
    %mul3A_243 = arith.constant 128 : i32
    %mul3A_244 = arith.muli %select_n3A_242, %mul3A_243 : i32
    %jit3A_245 = arith.constant 64 : i32
    %div3A_246 = arith.divsi %add3A_187, %jit3A_245 : i32
    %sign3A_247 = arith.constant 0 : i32
    %sign3A_248 = arith.cmpi sgt, %add3A_187, %sign3A_247 : i32
    %sign3A_249 = arith.extui %sign3A_248 : i1 to i32
    %sign3A_250 = arith.constant 0 : i32
    %sign3A_251 = arith.cmpi slt, %add3A_187, %sign3A_250 : i32
    %sign3A_252 = arith.extui %sign3A_251 : i1 to i32
    %sign3A_253 = arith.subi %sign3A_249, %sign3A_252 : i32
    %sign3A_254 = arith.constant 0 : i32
    %sign3A_255 = arith.cmpi sgt, %jit3A_245, %sign3A_254 : i32
    %sign3A_256 = arith.extui %sign3A_255 : i1 to i32
    %sign3A_257 = arith.constant 0 : i32
    %sign3A_258 = arith.cmpi slt, %jit3A_245, %sign3A_257 : i32
    %sign3A_259 = arith.extui %sign3A_258 : i1 to i32
    %sign3A_260 = arith.subi %sign3A_256, %sign3A_259 : i32
    %ne3A_261 = arith.cmpi ne, %sign3A_253, %sign3A_260 : i32
    %rem3A_262 = arith.remsi %add3A_187, %jit3A_245 : i32
    %ne3A_263 = arith.constant 0 : i32
    %ne3A_264 = arith.cmpi ne, %rem3A_262, %ne3A_263 : i32
    %and3A_265 = arith.andi %ne3A_261, %ne3A_264 : i1
    %sub3A_266 = arith.constant 1 : i32
    %sub3A_267 = arith.subi %div3A_246, %sub3A_266 : i32
    %select_n3A_268 = arith.select %and3A_265, %sub3A_267, %div3A_246 : i32
    %mul3A_269 = arith.constant 64 : i32
    %mul3A_270 = arith.muli %mul3A_269, %select_n3A_268 : i32
    "tpu.region"() ({
      %run_scoped3A_354 = tpu.sem_alloc : memref<!tpu.dma_semaphore, #tpu.memory_space<semaphore_mem>>
      %dma_start3A_355 = tpu.memref_slice %arg4[%mul3A_244, %mul3A_270] : memref<8192x128xf32, #tpu.memory_space<hbm>> -> memref<128x64xf32, #tpu.memory_space<hbm>>
      %dma_start3A_356 = tpu.memref_slice %arg4[%mul3A_244, %mul3A_270] : memref<8192x128xf32, #tpu.memory_space<hbm>> -> memref<128x64xf32, #tpu.memory_space<hbm>>
      tpu.enqueue_dma source(%arg6 : memref<128x64xf32, #tpu.memory_space<vmem>>) target(%dma_start3A_356 : memref<128x64xf32, #tpu.memory_space<hbm>>) target_semaphore(%run_scoped3A_354 : memref<!tpu.dma_semaphore, #tpu.memory_space<semaphore_mem>>)
      %dma_wait3A_357 = tpu.memref_slice %arg4[%mul3A_244, %mul3A_270] : memref<8192x128xf32, #tpu.memory_space<hbm>> -> memref<128x64xf32, #tpu.memory_space<hbm>>
      %dma_wait3A_358 = tpu.memref_slice %arg4[%mul3A_244, %mul3A_270] : memref<8192x128xf32, #tpu.memory_space<hbm>> -> memref<128x64xf32, #tpu.memory_space<hbm>>
      tpu.wait_dma2 semaphore(%run_scoped3A_354 : memref<!tpu.dma_semaphore, #tpu.memory_space<semaphore_mem>>) src(%arg6 : memref<128x64xf32, #tpu.memory_space<vmem>>) dst(%dma_wait3A_358 : memref<128x64xf32, #tpu.memory_space<hbm>>)
      tpu.yield
    }) : () -> ()
    %dma_wait3A_271 = arith.constant 1 : i32
    %dma_wait3A_272 = arith.constant 0 : i32
    %dma_wait3A_273 = tpu.memref_slice %arg5[%dma_wait3A_271, %dma_wait3A_272] : memref<2x25600xi32, #tpu.memory_space<vmem>> -> memref<1x25600xi32, #tpu.memory_space<vmem>>
    %dma_wait3A_274 = tpu.memref_squeeze %dma_wait3A_273 : memref<1x25600xi32, #tpu.memory_space<vmem>> -> memref<25600xi32, #tpu.memory_space<vmem>>
    %dma_wait3A_275 = tpu.memref_slice %arg2[%mul3A_191] : memref<3276800xi32, #tpu.memory_space<hbm>> -> memref<25600xi32, #tpu.memory_space<hbm>>
    %dma_wait3A_276 = arith.constant 0 : i32
    %dma_wait3A_277 = tpu.memref_slice %arg5[%dma_wait3A_271, %dma_wait3A_276] : memref<2x25600xi32, #tpu.memory_space<vmem>> -> memref<1x25600xi32, #tpu.memory_space<vmem>>
    %dma_wait3A_278 = tpu.memref_squeeze %dma_wait3A_277 : memref<1x25600xi32, #tpu.memory_space<vmem>> -> memref<25600xi32, #tpu.memory_space<vmem>>
    %dma_wait3A_279 = tpu.memref_slice %arg2[%mul3A_191] : memref<3276800xi32, #tpu.memory_space<hbm>> -> memref<25600xi32, #tpu.memory_space<hbm>>
    tpu.wait_dma2 semaphore(%arg7 : memref<!tpu.dma_semaphore, #tpu.memory_space<semaphore_mem>>) src(%dma_wait3A_279 : memref<25600xi32, #tpu.memory_space<hbm>>) dst(%dma_wait3A_278 : memref<25600xi32, #tpu.memory_space<vmem>>)
    %mul3A_280 = arith.constant 4 : i32
    %mul3A_281 = arith.muli %add3A, %mul3A_280 : i32
    %add3A_282 = arith.constant 3 : i32
    %add3A_283 = arith.addi %mul3A_281, %add3A_282 : i32
    %dma_start3A_284 = arith.constant 1 : i32
    %dma_start3A_285 = arith.constant 0 : i32
    %dma_start3A_286 = tpu.memref_slice %arg5[%dma_start3A_284, %dma_start3A_285] : memref<2x25600xi32, #tpu.memory_space<vmem>> -> memref<1x128xi32, #tpu.memory_space<vmem>>
    %dma_start3A_287 = tpu.memref_squeeze %dma_start3A_286 : memref<1x128xi32, #tpu.memory_space<vmem>> -> memref<128xi32, #tpu.memory_space<vmem>>
    %dma_start3A_288 = arith.constant 0 : i32
    %dma_start3A_289 = arith.constant 0 : i32
    %dma_start3A_290 = tpu.memref_slice %arg3[%dma_start3A_288, %dma_start3A_289] : memref<1000000x64xf32, #tpu.memory_space<hbm>> -> memref<1000000x64xf32, #tpu.memory_space<hbm>>
    tpu.enqueue_indirect_dma source(%dma_start3A_290 : memref<1000000x64xf32, #tpu.memory_space<hbm>>) target(%arg6 : memref<128x64xf32, #tpu.memory_space<vmem>>) offsets(%dma_start3A_287 : memref<128xi32, #tpu.memory_space<vmem>>) semaphore(%arg8 : memref<!tpu.dma_semaphore, #tpu.memory_space<semaphore_mem>>)
    %dma_wait3A_291 = arith.constant 1 : i32
    %dma_wait3A_292 = arith.constant 0 : i32
    %dma_wait3A_293 = tpu.memref_slice %arg5[%dma_wait3A_291, %dma_wait3A_292] : memref<2x25600xi32, #tpu.memory_space<vmem>> -> memref<1x128xi32, #tpu.memory_space<vmem>>
    %dma_wait3A_294 = tpu.memref_squeeze %dma_wait3A_293 : memref<1x128xi32, #tpu.memory_space<vmem>> -> memref<128xi32, #tpu.memory_space<vmem>>
    %dma_wait3A_295 = arith.constant 0 : i32
    %dma_wait3A_296 = arith.constant 0 : i32
    %dma_wait3A_297 = tpu.memref_slice %arg3[%dma_wait3A_295, %dma_wait3A_296] : memref<1000000x64xf32, #tpu.memory_space<hbm>> -> memref<1000000x64xf32, #tpu.memory_space<hbm>>
    tpu.wait_indirect_dma semaphore(%arg8 : memref<!tpu.dma_semaphore, #tpu.memory_space<semaphore_mem>>) src(%dma_wait3A_297 : memref<1000000x64xf32, #tpu.memory_space<hbm>>) dst(%arg6 : memref<128x64xf32, #tpu.memory_space<vmem>>)
    %scan3A_298 = arith.constant 0 : i32
    %scan3A_299 = arith.constant 1 : i32
    %scan3A_300 = arith.constant 199 : i32
    %scan3A_301 = arith.addi %scan3A_299, %scan3A_300 : i32
    %scan3A_302 = arith.constant 1 : i32
    scf.for %scan3A_354 = %scan3A_299 to %scan3A_301 step %scan3A_302  : i32 {
      %mul3A_355 = arith.constant 128 : i32
      %mul3A_356 = arith.muli %scan3A_354, %mul3A_355 : i32
      %dma_start3A_357 = arith.constant 1 : i32
      %dma_start3A_358 = tpu.memref_slice %arg5[%dma_start3A_357, %mul3A_356] : memref<2x25600xi32, #tpu.memory_space<vmem>> -> memref<1x128xi32, #tpu.memory_space<vmem>>
      %dma_start3A_359 = tpu.memref_squeeze %dma_start3A_358 : memref<1x128xi32, #tpu.memory_space<vmem>> -> memref<128xi32, #tpu.memory_space<vmem>>
      %dma_start3A_360 = arith.constant 0 : i32
      %dma_start3A_361 = arith.constant 0 : i32
      %dma_start3A_362 = tpu.memref_slice %arg3[%dma_start3A_360, %dma_start3A_361] : memref<1000000x64xf32, #tpu.memory_space<hbm>> -> memref<1000000x64xf32, #tpu.memory_space<hbm>>
      tpu.enqueue_indirect_dma source(%dma_start3A_362 : memref<1000000x64xf32, #tpu.memory_space<hbm>>) target(%arg6 : memref<128x64xf32, #tpu.memory_space<vmem>>) offsets(%dma_start3A_359 : memref<128xi32, #tpu.memory_space<vmem>>) semaphore(%arg8 : memref<!tpu.dma_semaphore, #tpu.memory_space<semaphore_mem>>) {add = true}
    }
    %scan3A_303 = arith.constant 199 : i32
    %scan3A_304 = arith.constant 0 : i32
    %scan3A_305 = arith.constant 1 : i32
    %scan3A_306 = arith.constant 199 : i32
    %scan3A_307 = arith.addi %scan3A_305, %scan3A_306 : i32
    %scan3A_308 = arith.constant 1 : i32
    scf.for %scan3A_354 = %scan3A_305 to %scan3A_307 step %scan3A_308  : i32 {
      %dma_wait3A_355 = arith.constant 1 : i32
      %dma_wait3A_356 = arith.constant 0 : i32
      %dma_wait3A_357 = tpu.memref_slice %arg5[%dma_wait3A_355, %dma_wait3A_356] : memref<2x25600xi32, #tpu.memory_space<vmem>> -> memref<1x128xi32, #tpu.memory_space<vmem>>
      %dma_wait3A_358 = tpu.memref_squeeze %dma_wait3A_357 : memref<1x128xi32, #tpu.memory_space<vmem>> -> memref<128xi32, #tpu.memory_space<vmem>>
      %dma_wait3A_359 = arith.constant 0 : i32
      %dma_wait3A_360 = arith.constant 0 : i32
      %dma_wait3A_361 = tpu.memref_slice %arg3[%dma_wait3A_359, %dma_wait3A_360] : memref<1000000x64xf32, #tpu.memory_space<hbm>> -> memref<1000000x64xf32, #tpu.memory_space<hbm>>
      tpu.wait_indirect_dma semaphore(%arg8 : memref<!tpu.dma_semaphore, #tpu.memory_space<semaphore_mem>>) src(%dma_wait3A_361 : memref<1000000x64xf32, #tpu.memory_space<hbm>>) dst(%arg6 : memref<128x64xf32, #tpu.memory_space<vmem>>)
    }
    %scan3A_309 = arith.constant 199 : i32
    %jit3A_310 = arith.constant 64 : i32
    %eq3A_311 = arith.constant 0 : i32
    %eq3A_312 = arith.cmpi eq, %jit3A_310, %eq3A_311 : i32
    %jit3A_313 = arith.constant 1 : i32
    %select_n3A_314 = arith.select %eq3A_312, %jit3A_313, %jit3A_310 : i32
    %rem3A_315 = arith.remsi %add3A_283, %select_n3A_314 : i32
    %ne3A_316 = arith.constant 0 : i32
    %ne3A_317 = arith.cmpi ne, %rem3A_315, %ne3A_316 : i32
    %lt3A_318 = arith.constant 0 : i32
    %lt3A_319 = arith.cmpi slt, %rem3A_315, %lt3A_318 : i32
    %lt3A_320 = arith.constant 0 : i32
    %lt3A_321 = arith.cmpi slt, %select_n3A_314, %lt3A_320 : i32
    %ne3A_322 = arith.xori %lt3A_319, %lt3A_321 : i1
    %and3A_323 = arith.andi %ne3A_322, %ne3A_317 : i1
    %add3A_324 = arith.addi %rem3A_315, %select_n3A_314 : i32
    %select_n3A_325 = arith.select %and3A_323, %add3A_324, %rem3A_315 : i32
    %mul3A_326 = arith.constant 128 : i32
    %mul3A_327 = arith.muli %select_n3A_325, %mul3A_326 : i32
    %jit3A_328 = arith.constant 64 : i32
    %div3A_329 = arith.divsi %add3A_283, %jit3A_328 : i32
    %sign3A_330 = arith.constant 0 : i32
    %sign3A_331 = arith.cmpi sgt, %add3A_283, %sign3A_330 : i32
    %sign3A_332 = arith.extui %sign3A_331 : i1 to i32
    %sign3A_333 = arith.constant 0 : i32
    %sign3A_334 = arith.cmpi slt, %add3A_283, %sign3A_333 : i32
    %sign3A_335 = arith.extui %sign3A_334 : i1 to i32
    %sign3A_336 = arith.subi %sign3A_332, %sign3A_335 : i32
    %sign3A_337 = arith.constant 0 : i32
    %sign3A_338 = arith.cmpi sgt, %jit3A_328, %sign3A_337 : i32
    %sign3A_339 = arith.extui %sign3A_338 : i1 to i32
    %sign3A_340 = arith.constant 0 : i32
    %sign3A_341 = arith.cmpi slt, %jit3A_328, %sign3A_340 : i32
    %sign3A_342 = arith.extui %sign3A_341 : i1 to i32
    %sign3A_343 = arith.subi %sign3A_339, %sign3A_342 : i32
    %ne3A_344 = arith.cmpi ne, %sign3A_336, %sign3A_343 : i32
    %rem3A_345 = arith.remsi %add3A_283, %jit3A_328 : i32
    %ne3A_346 = arith.constant 0 : i32
    %ne3A_347 = arith.cmpi ne, %rem3A_345, %ne3A_346 : i32
    %and3A_348 = arith.andi %ne3A_344, %ne3A_347 : i1
    %sub3A_349 = arith.constant 1 : i32
    %sub3A_350 = arith.subi %div3A_329, %sub3A_349 : i32
    %select_n3A_351 = arith.select %and3A_348, %sub3A_350, %div3A_329 : i32
    %mul3A_352 = arith.constant 64 : i32
    %mul3A_353 = arith.muli %mul3A_352, %select_n3A_351 : i32
    "tpu.region"() ({
      %run_scoped3A_354 = tpu.sem_alloc : memref<!tpu.dma_semaphore, #tpu.memory_space<semaphore_mem>>
      %dma_start3A_355 = tpu.memref_slice %arg4[%mul3A_327, %mul3A_353] : memref<8192x128xf32, #tpu.memory_space<hbm>> -> memref<128x64xf32, #tpu.memory_space<hbm>>
      %dma_start3A_356 = tpu.memref_slice %arg4[%mul3A_327, %mul3A_353] : memref<8192x128xf32, #tpu.memory_space<hbm>> -> memref<128x64xf32, #tpu.memory_space<hbm>>
      tpu.enqueue_dma source(%arg6 : memref<128x64xf32, #tpu.memory_space<vmem>>) target(%dma_start3A_356 : memref<128x64xf32, #tpu.memory_space<hbm>>) target_semaphore(%run_scoped3A_354 : memref<!tpu.dma_semaphore, #tpu.memory_space<semaphore_mem>>)
      %dma_wait3A_357 = tpu.memref_slice %arg4[%mul3A_327, %mul3A_353] : memref<8192x128xf32, #tpu.memory_space<hbm>> -> memref<128x64xf32, #tpu.memory_space<hbm>>
      %dma_wait3A_358 = tpu.memref_slice %arg4[%mul3A_327, %mul3A_353] : memref<8192x128xf32, #tpu.memory_space<hbm>> -> memref<128x64xf32, #tpu.memory_space<hbm>>
      tpu.wait_dma2 semaphore(%run_scoped3A_354 : memref<!tpu.dma_semaphore, #tpu.memory_space<semaphore_mem>>) src(%arg6 : memref<128x64xf32, #tpu.memory_space<vmem>>) dst(%dma_wait3A_358 : memref<128x64xf32, #tpu.memory_space<hbm>>)
      tpu.yield
    }) : () -> ()
    return
  }
}

module attributes {stable_mosaic.version = 14 : i64} {
  func.func @_tc_transpose_body(%arg0: i32, %arg1: memref<128x200xi32, #tpu.memory_space<vmem>>, %arg2: memref<1x200x128xi32, #tpu.memory_space<vmem>>) attributes {dimension_semantics = [#tpu.dimension_semantics<arbitrary>], iteration_bounds = array<i64: 128>, scalar_prefetch = 0 : i64, scratch_operands = 0 : i64, tpu.core_type = #tpu.core_type<tc>, window_params = [{transform_indices = @transform_0, window_bounds = array<i64: 128, 200>}, {transform_indices = @transform_1, window_bounds = array<i64: 1, 200, 128>}]} {
    %get3A = arith.constant 0 : index
    %get3A_0 = arith.constant 0 : index
    %get3A_1 = vector.load %arg1[%get3A, %get3A_0] : memref<128x200xi32, #tpu.memory_space<vmem>>, vector<128x200xi32>
    %transpose3A = tpu.transpose %get3A_1, [1, 0] : vector<128x200xi32> -> vector<200x128xi32>
    %swap3A = arith.constant 0 : index
    %swap3A_2 = arith.constant 0 : index
    %swap3A_3 = arith.constant 0 : index
    %swap3A_4 = vector.load %arg2[%swap3A, %swap3A_2, %swap3A_3] : memref<1x200x128xi32, #tpu.memory_space<vmem>>, vector<1x200x128xi32>
    %swap3A_5 = vector.shape_cast %swap3A_4 : vector<1x200x128xi32> to vector<200x128xi32>
    %swap3A_6 = vector.shape_cast %transpose3A : vector<200x128xi32> to vector<1x200x128xi32>
    tpu.vector_store %arg2[%swap3A, %swap3A_2, %swap3A_3], %swap3A_6 {strides = array<i32>} : memref<1x200x128xi32, #tpu.memory_space<vmem>>, vector<1x200x128xi32>,
    return
  }
  func.func @transform_0(%arg0: i32) -> (i32, i32) {
    %c0_i32 = arith.constant 0 : i32
    %c0_i32_0 = arith.constant 0 : i32
    return %arg0, %c0_i32 : i32, i32
  }
  func.func @transform_1(%arg0: i32) -> (i32, i32, i32) {
    %c0_i32 = arith.constant 0 : i32
    %c0_i32_0 = arith.constant 0 : i32
    %c0_i32_1 = arith.constant 0 : i32
    return %arg0, %c0_i32, %c0_i32_0 : i32, i32, i32
  }
}

module attributes {stable_mosaic.version = 14 : i64} {
  func.func @_tc_head_body(%arg0: i32, %arg1: memref<1024x200xi32, #tpu.memory_space<vmem>>, %arg2: memref<1024x200xi32, #tpu.memory_space<vmem>>, %arg3: memref<1024x128xf32, #tpu.memory_space<vmem>>, %arg4: memref<128x128xf32, #tpu.memory_space<vmem>>, %arg5: memref<1x128xf32, #tpu.memory_space<vmem>>, %arg6: memref<128x2xf32, #tpu.memory_space<vmem>>, %arg7: memref<1x2xf32, #tpu.memory_space<vmem>>, %arg8: memref<1024x2xf32, #tpu.memory_space<vmem>>) attributes {dimension_semantics = [#tpu.dimension_semantics<arbitrary>], iteration_bounds = array<i64: 8>, scalar_prefetch = 0 : i64, scratch_operands = 0 : i64, tpu.core_type = #tpu.core_type<tc>, window_params = [{transform_indices = @transform_0, window_bounds = array<i64: 1024, 200>}, {transform_indices = @transform_1, window_bounds = array<i64: 1024, 200>}, {transform_indices = @transform_2, window_bounds = array<i64: 1024, 128>}, {pipeline_mode = #tpu.pipeline_mode<synchronous>, transform_indices = @transform_3, window_bounds = array<i64: 128, 128>}, {pipeline_mode = #tpu.pipeline_mode<synchronous>, transform_indices = @transform_4, window_bounds = array<i64: 1, 128>}, {pipeline_mode = #tpu.pipeline_mode<synchronous>, transform_indices = @transform_5, window_bounds = array<i64: 128, 2>}, {pipeline_mode = #tpu.pipeline_mode<synchronous>, transform_indices = @transform_6, window_bounds = array<i64: 1, 2>}, {transform_indices = @transform_7, window_bounds = array<i64: 1024, 2>}]} {
    %get3A = arith.constant 0 : index
    %get3A_0 = arith.constant 0 : index
    %get3A_1 = vector.load %arg1[%get3A, %get3A_0] : memref<1024x200xi32, #tpu.memory_space<vmem>>, vector<1024x200xi32>
    %ne3A = arith.constant 0 : i32
    %ne3A_2 = vector.broadcast %ne3A : i32 to vector<1024x200xi32>
    %ne3A_3 = arith.cmpi ne, %get3A_1, %ne3A_2 : vector<1024x200xi32>
    %convert_element_type3A = arith.extui %ne3A_3 : vector<1024x200xi1> to vector<1024x200xi32>
    %convert_element_type3A_4 = arith.sitofp %convert_element_type3A : vector<1024x200xi32> to vector<1024x200xf32>
    %reduce_sum3A = arith.constant dense<0.000000e+00> : vector<1024xf32>
    %reduce_sum3A_5 = vector.multi_reduction <add>, %convert_element_type3A_4, %reduce_sum3A [1] : vector<1024x200xf32> to vector<1024xf32>
    %broadcast_in_dim3A = vector.shape_cast %reduce_sum3A_5 : vector<1024xf32> to vector<1024x1xf32>
    %get3A_6 = arith.constant 0 : index
    %get3A_7 = arith.constant 0 : index
    %get3A_8 = vector.load %arg2[%get3A_6, %get3A_7] : memref<1024x200xi32, #tpu.memory_space<vmem>>, vector<1024x200xi32>
    %ne3A_9 = arith.constant 0 : i32
    %ne3A_10 = vector.broadcast %ne3A_9 : i32 to vector<1024x200xi32>
    %ne3A_11 = arith.cmpi ne, %get3A_8, %ne3A_10 : vector<1024x200xi32>
    %convert_element_type3A_12 = arith.extui %ne3A_11 : vector<1024x200xi1> to vector<1024x200xi32>
    %convert_element_type3A_13 = arith.sitofp %convert_element_type3A_12 : vector<1024x200xi32> to vector<1024x200xf32>
    %reduce_sum3A_14 = arith.constant dense<0.000000e+00> : vector<1024xf32>
    %reduce_sum3A_15 = vector.multi_reduction <add>, %convert_element_type3A_13, %reduce_sum3A_14 [1] : vector<1024x200xf32> to vector<1024xf32>
    %broadcast_in_dim3A_16 = vector.shape_cast %reduce_sum3A_15 : vector<1024xf32> to vector<1024x1xf32>
    %max3A = arith.constant 1.000000e+00 : f32
    %max3A_17 = vector.broadcast %max3A : f32 to vector<1024x1xf32>
    %max3A_18 = arith.maximumf %broadcast_in_dim3A, %max3A_17 : vector<1024x1xf32>
    %div3A = arith.constant 1.000000e+00 : f32
    %div3A_19 = vector.broadcast %div3A : f32 to vector<1024x1xf32>
    %div3A_20 = arith.divf %div3A_19, %max3A_18 : vector<1024x1xf32>
    %broadcast_in_dim3A_21 = vector.shape_cast %div3A_20 : vector<1024x1xf32> to vector<1024x1xf32>
    %broadcast_in_dim3A_22 = vector.broadcast %broadcast_in_dim3A_21 : vector<1024x1xf32> to vector<1024x64xf32>
    %max3A_23 = arith.constant 1.000000e+00 : f32
    %max3A_24 = vector.broadcast %max3A_23 : f32 to vector<1024x1xf32>
    %max3A_25 = arith.maximumf %broadcast_in_dim3A_16, %max3A_24 : vector<1024x1xf32>
    %div3A_26 = arith.constant 1.000000e+00 : f32
    %div3A_27 = vector.broadcast %div3A_26 : f32 to vector<1024x1xf32>
    %div3A_28 = arith.divf %div3A_27, %max3A_25 : vector<1024x1xf32>
    %broadcast_in_dim3A_29 = vector.shape_cast %div3A_28 : vector<1024x1xf32> to vector<1024x1xf32>
    %broadcast_in_dim3A_30 = vector.broadcast %broadcast_in_dim3A_29 : vector<1024x1xf32> to vector<1024x64xf32>
    %concatenate3A = tpu.concatenate %broadcast_in_dim3A_22, %broadcast_in_dim3A_30 in 1 : vector<1024x64xf32>, vector<1024x64xf32> -> vector<1024x128xf32>
    %get3A_31 = arith.constant 0 : index
    %get3A_32 = arith.constant 0 : index
    %get3A_33 = vector.load %arg3[%get3A_31, %get3A_32] : memref<1024x128xf32, #tpu.memory_space<vmem>>, vector<1024x128xf32>
    %mul3A = arith.mulf %get3A_33, %concatenate3A : vector<1024x128xf32>
    %get3A_34 = arith.constant 0 : index
    %get3A_35 = arith.constant 0 : index
    %get3A_36 = vector.load %arg4[%get3A_34, %get3A_35] : memref<128x128xf32, #tpu.memory_space<vmem>>, vector<128x128xf32>
    %dot_general3A = arith.constant dense<0.000000e+00> : vector<1024x128xf32>
    %dot_general3A_37 = tpu.matmul %mul3A, %get3A_36, %dot_general3A {dimension_numbers = #tpu.dot_dimension_numbers<[1], [0], [0], [1], [0, 0, 1, 1], [], []>, transpose_lhs_hint = false} : vector<1024x128xf32>, vector<128x128xf32>, vector<1024x128xf32> -> vector<1024x128xf32>
    %get3A_38 = arith.constant 0 : index
    %get3A_39 = arith.constant 0 : index
    %get3A_40 = vector.load %arg5[%get3A_38, %get3A_39] : memref<1x128xf32, #tpu.memory_space<vmem>>, vector<1x128xf32>
    %add3A = vector.broadcast %get3A_40 : vector<1x128xf32> to vector<1024x128xf32>
    %add3A_41 = arith.addf %dot_general3A_37, %add3A : vector<1024x128xf32>
    %max3A_42 = arith.constant 0.000000e+00 : f32
    %max3A_43 = vector.broadcast %max3A_42 : f32 to vector<1024x128xf32>
    %max3A_44 = arith.maximumf %add3A_41, %max3A_43 : vector<1024x128xf32>
    %get3A_45 = arith.constant 0 : index
    %get3A_46 = arith.constant 0 : index
    %get3A_47 = vector.load %arg6[%get3A_45, %get3A_46] : memref<128x2xf32, #tpu.memory_space<vmem>>, vector<128x2xf32>
    %dot_general3A_48 = arith.constant dense<0.000000e+00> : vector<1024x2xf32>
    %dot_general3A_49 = tpu.matmul %max3A_44, %get3A_47, %dot_general3A_48 {dimension_numbers = #tpu.dot_dimension_numbers<[1], [0], [0], [1], [0, 0, 1, 1], [], []>, transpose_lhs_hint = false} : vector<1024x128xf32>, vector<128x2xf32>, vector<1024x2xf32> -> vector<1024x2xf32>
    %get3A_50 = arith.constant 0 : index
    %get3A_51 = arith.constant 0 : index
    %get3A_52 = vector.load %arg7[%get3A_50, %get3A_51] : memref<1x2xf32, #tpu.memory_space<vmem>>, vector<1x2xf32>
    %add3A_53 = vector.broadcast %get3A_52 : vector<1x2xf32> to vector<1024x2xf32>
    %add3A_54 = arith.addf %dot_general3A_49, %add3A_53 : vector<1024x2xf32>
    %swap3A = arith.constant 0 : index
    %swap3A_55 = arith.constant 0 : index
    %swap3A_56 = vector.load %arg8[%swap3A, %swap3A_55] : memref<1024x2xf32, #tpu.memory_space<vmem>>, vector<1024x2xf32>
    tpu.vector_store %arg8[%swap3A, %swap3A_55], %add3A_54 {strides = array<i32>} : memref<1024x2xf32, #tpu.memory_space<vmem>>, vector<1024x2xf32>,
    return
  }
  func.func @transform_0(%arg0: i32) -> (i32, i32) {
    %c0_i32 = arith.constant 0 : i32
    %c0_i32_0 = arith.constant 0 : i32
    return %arg0, %c0_i32 : i32, i32
  }
  func.func @transform_1(%arg0: i32) -> (i32, i32) {
    %add3A = arith.constant 8 : i32
    %add3A_0 = arith.addi %arg0, %add3A : i32
    %c0_i32 = arith.constant 0 : i32
    %c0_i32_1 = arith.constant 0 : i32
    return %add3A_0, %c0_i32 : i32, i32
  }
  func.func @transform_2(%arg0: i32) -> (i32, i32) {
    %c0_i32 = arith.constant 0 : i32
    %c0_i32_0 = arith.constant 0 : i32
    return %arg0, %c0_i32 : i32, i32
  }
  func.func @transform_3(%arg0: i32) -> (i32, i32) {
    %c0_i32 = arith.constant 0 : i32
    %c0_i32_0 = arith.constant 0 : i32
    %c0_i32_1 = arith.constant 0 : i32
    return %c0_i32, %c0_i32_0 : i32, i32
  }
  func.func @transform_4(%arg0: i32) -> (i32, i32) {
    %c0_i32 = arith.constant 0 : i32
    %c0_i32_0 = arith.constant 0 : i32
    %c0_i32_1 = arith.constant 0 : i32
    return %c0_i32, %c0_i32_0 : i32, i32
  }
  func.func @transform_5(%arg0: i32) -> (i32, i32) {
    %c0_i32 = arith.constant 0 : i32
    %c0_i32_0 = arith.constant 0 : i32
    %c0_i32_1 = arith.constant 0 : i32
    return %c0_i32, %c0_i32_0 : i32, i32
  }
  func.func @transform_6(%arg0: i32) -> (i32, i32) {
    %c0_i32 = arith.constant 0 : i32
    %c0_i32_0 = arith.constant 0 : i32
    %c0_i32_1 = arith.constant 0 : i32
    return %c0_i32, %c0_i32_0 : i32, i32
  }
  func.func @transform_7(%arg0: i32) -> (i32, i32) {
    %c0_i32 = arith.constant 0 : i32
    %c0_i32_0 = arith.constant 0 : i32
    return %arg0, %c0_i32 : i32, i32
  }
}

</mosaic_0001>

<sc_bundles>
// kernel: kernel.5.cloned.1.call-start
scs
__scs_entry_jumppad:
0x0: {  	(pc) =	sbr.rel $0x88, $3  }
0x1: {  	(tag) =	ssettag $0x0;
	lr =	simm.s32 $0x1  }
0x2: {  	[smem:$0x3F9B] =	sst lr;
	_ =	strace $0xD0000000  }
0x3: {  	_ = 	snop  }
0x4: {  	_ = 	snop  }
0x5: {  	_ = 	snop  }
0x6: {  	_ = 	snop  }
0x7: {  	_ = 	snop  }
__scs_overlays_trampoline_lowered:
0x8: {  	[smem:$0x3FAA] =	sst s0  }
0x9: {  	[smem:$0x3FAB] =	sst s1  }
0xa: {  	[smem:$0x3FAC] =	sst s2  }
0xb: {  	[smem:$0x3FAD] =	sst s3  }
0xc: {  	[smem:$0x3FAE] =	sst s4  }
0xd: {  	[smem:$0x3FAF] =	sst s5  }
0xe: {  	[smem:$0x3FB0] =	sst s6  }
0xf: {  	[smem:$0x3FB1] =	sst s7  }
0x10: {  	[smem:$0x3FB2] =	sst s8  }
0x11: {  	[smem:$0x3FB3] =	sst s9;
	s0 =	simm.s32 @!p0 $0x0  }
0x12: {  	s1 =	sld [smem:$0x3F99];
	s0 =	simm.s32 @p0 $0x1  }
0x13: {  	[smem:$0x3FB4] =	sst s0;
	s0 =	simm.s32 @!p1 $0x0  }
0x14: {  	s2 =	sld [smem:$0x3F98];
	s0 =	simm.s32 @p1 $0x1  }
0x15: {  	[smem:$0x3FB5] =	sst s0;
	s0 =	simm.s32 @!p2 $0x0  }
0x16: {  	s3 =	sld [smem:$0x3FDB];
	s0 =	simm.s32 @p2 $0x1  }
0x17: {  	s4 =	simm.s32 $0x1BF5;
	[smem:$0x3FB7] =	sst s0  }
0x18: {  	s0 =	sld [smem:$0x3F9A];
	_ =	swait.ge [sflag:s4], $0x0  }
0x19: {  	s7 =	sld [smem:$0x3F9B]  }
0x1a: {  	s8 =	sadd.s32 $0xFFFFE003, lr  }
0x1b: {  	s9 =	sadd.s32 $0xFFFFFEF7, lr;
	s5 =	simm.s32 $0xFFFFFFFF;
	p2 =	slt.u32 s8, $0xFFFFF086  }
0x1c: {  	p1 =	slt.u32 s9, $0xF7A;
	s5 =	simm.s32 @!p2 $0x0  }
0x1d: {  	s5 =	simm.s32 @p1 $0x1;
	p0 =	seq.s32 s7, s2  }
0x1e: {  	s7 =	smul.u32 @!p0 $0xF7A, s2;
	p2 =	seq.s32 @!p0 s5, $0x0  }
0x1f: {  	s9 =	smul.u32 $0xF7A, s1;
	s8 =	simm.s32 @!p0 $0x1BF5;
	p2 =	por !p2, p0  }
0x20: {  	[sflag:s8] =	ssyncset.s32 @!p0 $0xFFFFF086;
	s6 =	sadd.s32 @!p0 s3, s7;
	s7 =	simm.s32 @!p0 $0x108  }
0x21: {  	s3 =	sadd.s32 s3, s9;
	s6 =	sadd.s32 @!p0 $0x88, s6;
	s7 =	simm.s32 @p2 $0x1082  }
0x22: {  	[simem:s7], [sflag:s8] =	dma.local @!p0 [hbm:s6], $0xF7A  }
0x23: {  	s9 =	sor.u32 $0xD0000000, s2;
	s6 =	simm.s32 $0x108;
	_ =	swait.ge @!p0 [sflag:s8], $0x0  }
0x24: {  	s3 =	sadd.s32 $0x88, s3;
	s6 =	simm.s32 @!p1 $0x1082;
	[sflag:s4] =	ssyncset.s32 $0xFFFFF086  }
0x25: {  	[simem:s6], [sflag:s4] =	dma.local [hbm:s3], $0xF7A  }
0x26: {  	[smem:$0x3F9B] =	sst s1;
	(tag) =	ssettag s2;
	_ =	strace s9  }
0x27: {  	s1 =	sld [smem:$0x3FAB]  }
0x28: {  	s2 =	sld [smem:$0x3FAC]  }
0x29: {  	s4 =	sld [smem:$0x3FAE]  }
0x2a: {  	p0 =	seq.s32 s5, $0x0;
	s5 =	sld [smem:$0x3FAF]  }
0x2b: {  	s6 =	sld [smem:$0x3FB0]  }
0x2c: {  	s7 =	sld [smem:$0x3FB1]  }
0x2d: {  	s3 =	simm.s32 $0x108;
	s8 =	sld [smem:$0x3FB2]  }
0x2e: {  	s3 =	simm.s32 @!p0 $0x1082;
	s9 =	sld [smem:$0x3FB3]  }
0x2f: {  	lr =	sadd.s32 s0, s3;
	s0 =	sld [smem:$0x3FAA]  }
0x30: {  	s3 =	sld [smem:$0x3FAD]  }
0x31: {  	[smem:$0x3FB6] =	sst s10  }
0x32: {  	s10 =	sld [smem:$0x3FB4];
	_ =	sdelay $0x3  }
0x33: {  	p0 =	seq.s32 s10, $0x1;
	s10 =	sld [smem:$0x3FB6];
	_ =	sdelay $0x3  }
0x34: {  	[smem:$0x3FB6] =	sst s10  }
0x35: {  	s10 =	sld [smem:$0x3FB5];
	_ =	sdelay $0x3  }
0x36: {  	p1 =	seq.s32 s10, $0x1;
	s10 =	sld [smem:$0x3FB6];
	_ =	sdelay $0x3  }
0x37: {  	[smem:$0x3FB6] =	sst s10  }
0x38: {  	s10 =	sld [smem:$0x3FB7]  }
0x39: {  	_ = 	snop;
	(pc) =	sbr.ind lr, $3  }
0x3a: {  	_ = 	snop  }
0x3b: {  	_ = 	snop  }
0x3c: {  	p2 =	seq.s32 s10, $0x1;
	s10 =	sld [smem:$0x3FB6]  }
0x3d: {  	_ =	shalt  }
0x3e: {  	_ =	shalt  }
0x3f: {  	_ =	shalt  }
0x40: {  	_ =	shalt  }
0x41: {  	_ =	shalt  }
0x42: {  	_ =	shalt  }
0x43: {  	_ =	shalt  }
0x44: {  	_ =	shalt  }
0x45: {  	_ =	shalt  }
0x46: {  	_ =	shalt  }
0x47: {  	_ =	shalt  }
0x48: {  	_ =	shalt  }
0x49: {  	_ =	shalt  }
0x4a: {  	_ =	shalt  }
0x4b: {  	_ =	shalt  }
0x4c: {  	_ =	shalt  }
0x4d: {  	_ =	shalt  }
0x4e: {  	_ =	shalt  }
0x4f: {  	_ =	shalt  }
0x50: {  	_ =	shalt  }
0x51: {  	_ =	shalt  }
0x52: {  	_ =	shalt  }
0x53: {  	_ =	shalt  }
0x54: {  	_ =	shalt  }
0x55: {  	_ =	shalt  }
0x56: {  	_ =	shalt  }
0x57: {  	_ =	shalt  }
0x58: {  	_ =	shalt  }
0x59: {  	_ =	shalt  }
0x5a: {  	_ =	shalt  }
0x5b: {  	_ =	shalt  }
0x5c: {  	_ =	shalt  }
0x5d: {  	_ =	shalt  }
0x5e: {  	_ =	shalt  }
0x5f: {  	_ =	shalt  }
0x60: {  	_ =	shalt  }
0x61: {  	_ =	shalt  }
0x62: {  	_ =	shalt  }
0x63: {  	_ =	shalt  }
0x64: {  	_ =	shalt  }
0x65: {  	_ =	shalt  }
0x66: {  	_ =	shalt  }
0x67: {  	_ =	shalt  }
0x68: {  	_ =	shalt  }
0x69: {  	_ =	shalt  }
0x6a: {  	_ =	shalt  }
0x6b: {  	_ =	shalt  }
0x6c: {  	_ =	shalt  }
0x6d: {  	_ =	shalt  }
0x6e: {  	_ =	shalt  }
0x6f: {  	_ =	shalt  }
0x70: {  	_ =	shalt  }
0x71: {  	_ =	shalt  }
0x72: {  	_ =	shalt  }
0x73: {  	_ =	shalt  }
0x74: {  	_ =	shalt  }
0x75: {  	_ =	shalt  }
0x76: {  	_ =	shalt  }
0x77: {  	_ =	shalt  }
0x78: {  	_ =	shalt  }
0x79: {  	_ =	shalt  }
0x7a: {  	_ =	shalt  }
0x7b: {  	_ =	shalt  }
0x7c: {  	_ =	shalt  }
0x7d: {  	_ =	shalt  }
0x7e: {  	_ =	shalt  }
0x7f: {  	_ =	shalt  }
0x80: {  	_ =	shalt  }
0x81: {  	_ =	shalt  }
0x82: {  	_ =	shalt  }
0x83: {  	_ =	shalt  }
0x84: {  	_ =	shalt  }
0x85: {  	_ =	shalt  }
0x86: {  	_ =	shalt  }
0x87: {  	_ =	shalt  }
.Lfunc_end0:
.L_simem_size_0:
called_computation_lowered:
.L_overlay_start_0:
0x88: {  	s2 =	sld [smem:$0x3FD9]  }
0x89: {  	s3 =	sld [smem:$0x3FFE];
	_ =	sdelay $0x1  }
0x8a: {  	s1 =	srdreg.scid  }
0x8b: {  	s0 =	sand.u32 $0x1, s1  }
0x8c: {  	s16 =	sshll.u32 s0, $0xA;
	s2 =	sadd.s32 s3, s2  }
0x8d: {  	s2 =	sadd.s32 s2, s16  }
0x8e: {  	[smem:$0x3FC2] =	sst s2  }
0x8f: {  	_ = 	snop  }
0x90: {  	(tm) =	ssettm $0x1  }
0x91: {  	s17 =	sld [smem:$0x3FFB];
	_ =	sdelay $0x3  }
0x92: {  	_ =	strace s17  }
0x93: {  	s2 =	sld [smem:$0x3FFC];
	_ =	sdelay $0x3  }
0x94: {  	_ =	strace s2  }
0x95: {  	s2 =	sld [smem:$0x3FFD];
	_ =	sdelay $0x3  }
0x96: {  	_ =	strace s2  }
0x97: {  	_ =	strace $0x8FFFFFFF  }
0x98: {  	s18 =	sld [smem:$0x3FDB];
	_ =	sdelay $0x1  }
0x99: {  	s19 =	simm.s32 $_scs_section_size  }
0x9a: {  	s4 =	simm.s32 $_size__tile_overlayer_lowered;
	s5 =	simm.s32 $_tile_overlayer_lowered  }
0x9b: {  	s22 =	simm.s32 $0x1BFF;
	s21 =	sshll.u32 s5, $0x1;
	s2 =	sadd.s32 s19, s18  }
0x9c: {  	s6 =	simm.s32 $0x0;
	s20 =	sshll.u32 s4, $0x1;
	s4 =	sadd.s32 s21, s2  }
0x9d: {  	[timem:s6], [sflag:s22] =	dma.local [hbm:s4], s20  }
0x9e: {  	_ =	swait.ge [sflag:s22], s20  }
0x9f: {  	s3 =	ssub.s32 $0x0, s20;
	[sflag:s22] =	ssyncset.done $0x0  }
0xa0: {  	[sflag:s22] =	ssyncadd.s32 s3;
	_ =	sdelay $0x1  }
0xa1: {  	s23 =	simm.s32 $0x1B8B  }
0xa2: {  	_ =	swait.ge [sflag:s23], $0x1  }
0xa3: {  	[sflag:s23] =	ssyncset.done $0x0  }
0xa4: {  	s25 =	simm.s32 $0x1B8E;
	s24 =	sld [smem:$0x3FFE];
	[sflag:s23] =	ssyncadd.s32 $0xFFFFFFFF  }
0xa5: {  	s26 =	simm.s32 $execute0_lowered;
	[smem:$0x3FD2] =	sst s25  }
0xa6: {  	s4 =	sshll.u32 s26, $0x1;
	_ =	strace $0x80000046;
	[dreg:$0x1] =	wrdreg $0xFFFFFFFF  }
0xa7: {  	s28 =	simm.s32 $_size_execute0_lowered;
	s2 =	sadd.s32 s2, s4;
	[dreg:$0x0] =	wrdreg $0x0  }
0xa8: {  	s4 =	sshll.u32 s28, $0x1;
	[dreg:$0x2] =	wrdreg s2  }
0xa9: {  	[dreg:$0x3] =	wrdreg s4  }
0xaa: {  	[dreg:$0x4] =	wrdreg $0xC0  }
0xab: {  	_ =	task [dreg:s6], $0x5FFFF  }
0xac: {  	[dreg:$0x1] =	wrdreg $0xFFFFFFFF  }
0xad: {  	[dreg:$0x0] =	wrdreg $0x60  }
0xae: {  	[dreg:$0x2] =	wrdreg s24  }
0xaf: {  	[dreg:$0x3] =	wrdreg $0x9  }
0xb0: {  	_ =	task.clear_ibuf [dreg:s6], $0x4FFFF;
	_ =	strace $0x90000046  }
0xb1: {  	s29 =	simm.s32 $0x9;
	_ =	strace $0x80000048  }
0xb2: {  	_ =	swait.ge [sflag:s29], $0x1  }
0xb3: {  	[sflag:s29] =	ssyncadd.s32 $0xFFFFFFFF  }
0xb4: {  	_ =	strace $0x90000048  }
0xb5: {  	_ =	sfence  }
0xb6: {  	s30 =	sld [smem:$0x0];
	_ =	sdelay $0x2  }
0xb7: {  	s31 =	sshll.u32 s1, $0xD;
	s1 =	sshrl.u32 s1, $0x2  }
0xb8: {  	s3 =	sand.u32 $0x4000, s31;
	s1 =	sadd.s32 s1, s30  }
0xb9: {  	s0 =	sor.u32 s3, s0;
	s1 =	sshll.u32 s1, $0x11  }
0xba: {  	s0 =	sor.u32 s1, s0  }
0xbb: {  	s0 =	sadd.s32 $0x8F2B, s0  }
0xbc: {  	[sflag:s0] =	ssyncadd.remote.s32 $0x1  }
0xbd: {  	_ =	sfence.sel $0xFFFF  }
0xbe: {  	[dreg:$0x0] =	wrdreg $0xFFFFFFFF;
	(pc) =	sbr.abs _section_cstart, $3  }
0xbf: {  	[dreg:$0x1] =	wrdreg $0xFFFFFFFF  }
0xc0: {  	_ =	task.clear_ibuf [dreg:s6], $0x2FFFF;
	_ =	strace $0x9FFFFFFF  }
0xc1: {  	(tm) =	ssettm $0x7FFFFFFF  }
tec
execute0_lowered:
.L_overlay_start_1:
0x0: {  	(tag) =	ssettag $0x1  }
0x1: {  	s4 =	rddreg [dreg:$0x0]  }
0x2: {  	s0 =	rddreg [dreg:$0x1];
	s1 =	simm.s32 $0x0  }
0x3: {  	s3 =	srdreg.scid;
	s2 =	stileid.u32;
	s16 =	simm.s32 $0xC800  }
0x4: {  	s17 =	simm.s32 $0x2;
	s18 =	simm.s32 $0x40;
	s19 =	simm.s32 $0x1  }
0x5: {  	s20 =	simm.s32 $0x0;
	[smem:$0x7FF] =	sst s1;
	s9 =	sadd.s32 $0x81000, s4  }
0x6: {  	s5 =	sand.u32 $0x1, s3;
	s3 =	sadd.s32 $0x1027400, s4;
	s7 =	sshll.u32 s2, $0x1  }
0x7: {  	s11 =	sadd.s32 $0xE5000, s4;
	s6 =	ssub.s32 $0x2, s5;
	s8 =	sor.u32 s5, s7  }
0x8: {  	_ =	strace $0x80000047;
	s22 =	sshrl.u32 s6, $0x1;
	s10 =	sshll.u32 s8, $0x2  }
0x9: {  	s23 =	sshll.u32 s8, $0x10;
	s5 =	smul.u32 $0x3200, s8;
	s8 =	sshllo.u32 s8, $0x2  }
0xa: {  	s12 =	ssub.s32 s6, s22;
	s24 =	sor.u32 $0x1, s10;
	s4 =	sor.u32 s10, s23  }
0xb: {  	s14 =	sor.u32 $0x2, s10;
	s28 =	sshll.u32 s8, $0xE;
	s29 =	smul.u32 $0xC80, s8  }
0xc: {  	s25 =	smul.u32 $0xC80, s24;
	s13 =	sand.u32 $0xF0040, s4;
	s4 =	sadd.s32 s9, s5  }
0xd: {  	s15 =	smul.u32 $0xC80, s14;
	s26 =	sshll.u32 s24, $0xE;
	s14 =	sshll.u32 s14, $0xE  }
0xe: {  	s12 =	smax.u32 s12, $0x1;
	s13 =	sshrl.u32 s13, $0x3;
	s14 =	sor.u32 s10, s14  }
0xf: {  	s5 =	sadd.s32 s9, s25;
	s6 =	sadd.s32 s11, s13;
	s7 =	sadd.s32 s9, s15  }
0x10: {  	s13 =	sor.u32 s10, s26;
	s10 =	sor.u32 s10, s28;
	s14 =	sand.u32 $0xF8040, s14  }
0x11: {  	s9 =	sadd.s32 s9, s29;
	s15 =	simm.s32 $0x80;
	s13 =	sand.u32 $0xF4040, s13  }
0x12: {  	s10 =	sand.u32 $0xFC040, s10;
	s30 =	sshrl.u32 s14, $0x3;
	s14 =	simm.s32 $0x6400  }
0x13: {  	s13 =	sshrl.u32 s13, $0x3;
	s31 =	sshrl.u32 s10, $0x3;
	s10 =	sadd.s32 s11, s30  }
0x14: {  	s8 =	sadd.s32 s11, s13;
	s11 =	sadd.s32 s11, s31;
	s13 =	simm.s32 $0x3  }
.LBB2_1:
0x15: {  	[tilespmem:s1], [sflag:$0x3] =	stream.linear.gather [hbm4b:s4+s1], $0x6400, $0x38;
	[tilespmem:$0xE800] =	vst v63  }
0x16: {  	_ =	swait.ge [sflag:s13], $0x6400  }
0x17: {  	[sflag:s13] =	ssyncset.done $0x0  }
0x18: {  	[sflag:s13] =	ssyncadd.s32 $0xFFFF9C00  }
0x19: {  	[tilespmem:s14], [sflag:$0x1] =	stream.linear.gather [hbm4b:s5+s1], $0x6400, $0x38;
	[tilespmem:$0xE800] =	vst v63  }
0x1a: {  	_ = 	snop  }
0x1b: {  	[tilespmem:s16], [sflag:$0x2] =	stream.indirect.gather [hbm4b:s3+s15], $0x40, s1, s15, $0xb8;
	[tilespmem:$0xE800] =	vst v63  }
0x1c: {  	_ =	swait.ge [sflag:s17], $0x2000  }
0x1d: {  	[sflag:s17] =	ssyncset.done $0x0  }
0x1e: {  	s21 =	simm.s32 $0x200;
	[sflag:s17] =	ssyncadd.s32 $0xFFFFE000  }
.LBB2_2:
0x1f: {  	p0 =	sne.s32 s21, $0x18E00  }
.Ltmp0:
0x20: {  	_ = 	snop;
	(pc) =	sbr.rel @p0 .LBB2_2-.Ltmp0, $3  }
0x21: {  	_ =	sdelay $0x1  }
0x22: {  	s22 =	sshra.s32 s21, $0x2;
	s21 =	sadd.s32 $0x200, s21  }
0x23: {  	[tilespmem:s16], [sflag:$0x2] =	stream.indirect.gather.add.f32 [hbm:s3], $0x40, s22, s15, $0xb8;
	[tilespmem:$0xE800] =	vst v63  }
0x24: {  	_ =	swait.ge [sflag:s17], $0x2000  }
0x25: {  	s21 =	simm.s32 $0xC6;
	[sflag:s17] =	ssyncset.done $0x0  }
.LBB2_4:
0x26: {  	p0 =	sne.s32 s21, $0x1;
	s21 =	sadd.s32 $0xFFFFFFFF, s21;
	[sflag:s17] =	ssyncadd.s32 $0xFFFFE000  }
.Ltmp1:
0x27: {  	(pc) =	sbr.rel @p0 .LBB2_4-.Ltmp1, $3  }
0x28: {  	_ =	sdelay $0x1  }
0x29: {  	_ =	swait.ge [sflag:s17], $0x2000  }
0x2a: {  	[sflag:s17] =	ssyncset.done $0x0  }
0x2b: {  	[sflag:s17] =	ssyncadd.s32 $0xFFFFE000  }
0x2c: {  	[hbm4b:s6+s18] =	stream.strided.scatter [tilespmem:s16], [sflag:$0x3], $0x2000, s15, s18, $0x38;
	[tilespmem:$0xE800] =	vst v63  }
0x2d: {  	_ =	swait.ge [sflag:s13], $0x2000  }
0x2e: {  	[sflag:s13] =	ssyncset.done $0x0  }
0x2f: {  	[sflag:s13] =	ssyncadd.s32 $0xFFFFE000  }
0x30: {  	_ =	swait.ge [sflag:s19], $0x6400  }
0x31: {  	[sflag:s19] =	ssyncset.done $0x0  }
0x32: {  	s21 =	simm.s32 $0x0;
	[sflag:s19] =	ssyncadd.s32 $0xFFFF9C00  }
0x33: {  	[tilespmem:s21], [sflag:$0x1] =	stream.linear.gather [hbm4b:s7+s21], $0x6400, $0x38;
	[tilespmem:$0xE800] =	vst v63  }
0x34: {  	_ = 	snop  }
0x35: {  	[tilespmem:s16], [sflag:$0x2] =	stream.indirect.gather [hbm4b:s3+s15], $0x40, s14, s15, $0xb8;
	[tilespmem:$0xE800] =	vst v63  }
0x36: {  	_ =	swait.ge [sflag:s17], $0x2000  }
0x37: {  	[sflag:s17] =	ssyncset.done $0x0  }
0x38: {  	[sflag:s17] =	ssyncadd.s32 $0xFFFFE000  }
.LBB2_6:
0x39: {  	p0 =	sne.s32 s21, $0x18C00  }
.Ltmp2:
0x3a: {  	_ = 	snop;
	(pc) =	sbr.rel @p0 .LBB2_6-.Ltmp2, $4  }
0x3b: {  	_ = 	snop  }
0x3c: {  	s22 =	sshra.s32 s21, $0x2  }
0x3d: {  	s21 =	sadd.s32 $0x200, s21;
	s22 =	sadd.s32 $0x6480, s22  }
0x3e: {  	[tilespmem:s16], [sflag:$0x2] =	stream.indirect.gather.add.f32 [hbm:s3], $0x40, s22, s15, $0xb8;
	[tilespmem:$0xE800] =	vst v63  }
0x3f: {  	_ =	swait.ge [sflag:s17], $0x2000  }
0x40: {  	s21 =	simm.s32 $0xC6;
	[sflag:s17] =	ssyncset.done $0x0  }
.LBB2_8:
0x41: {  	p0 =	sne.s32 s21, $0x1;
	s21 =	sadd.s32 $0xFFFFFFFF, s21;
	[sflag:s17] =	ssyncadd.s32 $0xFFFFE000  }
.Ltmp3:
0x42: {  	(pc) =	sbr.rel @p0 .LBB2_8-.Ltmp3, $3  }
0x43: {  	_ =	sdelay $0x1  }
0x44: {  	_ =	swait.ge [sflag:s17], $0x2000  }
0x45: {  	[sflag:s17] =	ssyncset.done $0x0  }
0x46: {  	[sflag:s17] =	ssyncadd.s32 $0xFFFFE000  }
0x47: {  	[hbm4b:s8+s18] =	stream.strided.scatter [tilespmem:s16], [sflag:$0x3], $0x2000, s15, s18, $0x38;
	[tilespmem:$0xE800] =	vst v63  }
0x48: {  	_ =	swait.ge [sflag:s13], $0x2000  }
0x49: {  	[sflag:s13] =	ssyncset.done $0x0  }
0x4a: {  	[sflag:s13] =	ssyncadd.s32 $0xFFFFE000  }
0x4b: {  	_ =	swait.ge [sflag:s19], $0x6400  }
0x4c: {  	[sflag:s19] =	ssyncset.done $0x0  }
0x4d: {  	[sflag:s19] =	ssyncadd.s32 $0xFFFF9C00  }
0x4e: {  	[tilespmem:s14], [sflag:$0x1] =	stream.linear.gather [hbm4b:s9+s1], $0x6400, $0x38;
	[tilespmem:$0xE800] =	vst v63  }
0x4f: {  	_ = 	snop  }
0x50: {  	[tilespmem:s16], [sflag:$0x2] =	stream.indirect.gather [hbm4b:s3+s15], $0x40, s1, s15, $0xb8;
	[tilespmem:$0xE800] =	vst v63  }
0x51: {  	_ =	swait.ge [sflag:s17], $0x2000  }
0x52: {  	[sflag:s17] =	ssyncset.done $0x0  }
0x53: {  	s21 =	simm.s32 $0x200;
	[sflag:s17] =	ssyncadd.s32 $0xFFFFE000  }
.LBB2_10:
0x54: {  	p0 =	sne.s32 s21, $0x18E00  }
.Ltmp4:
0x55: {  	_ = 	snop;
	(pc) =	sbr.rel @p0 .LBB2_10-.Ltmp4, $3  }
0x56: {  	_ =	sdelay $0x1  }
0x57: {  	s22 =	sshra.s32 s21, $0x2;
	s21 =	sadd.s32 $0x200, s21  }
0x58: {  	[tilespmem:s16], [sflag:$0x2] =	stream.indirect.gather.add.f32 [hbm:s3], $0x40, s22, s15, $0xb8;
	[tilespmem:$0xE800] =	vst v63  }
0x59: {  	_ =	swait.ge [sflag:s17], $0x2000  }
0x5a: {  	s21 =	simm.s32 $0xC6;
	[sflag:s17] =	ssyncset.done $0x0  }
.LBB2_12:
0x5b: {  	p0 =	sne.s32 s21, $0x1;
	s21 =	sadd.s32 $0xFFFFFFFF, s21;
	[sflag:s17] =	ssyncadd.s32 $0xFFFFE000  }
.Ltmp5:
0x5c: {  	(pc) =	sbr.rel @p0 .LBB2_12-.Ltmp5, $3  }
0x5d: {  	_ =	sdelay $0x1  }
0x5e: {  	_ =	swait.ge [sflag:s17], $0x2000  }
0x5f: {  	[sflag:s17] =	ssyncset.done $0x0  }
0x60: {  	[sflag:s17] =	ssyncadd.s32 $0xFFFFE000  }
0x61: {  	[hbm4b:s10+s18] =	stream.strided.scatter [tilespmem:s16], [sflag:$0x3], $0x2000, s15, s18, $0x38;
	[tilespmem:$0xE800] =	vst v63  }
0x62: {  	_ =	swait.ge [sflag:s13], $0x2000  }
0x63: {  	[sflag:s13] =	ssyncset.done $0x0  }
0x64: {  	[sflag:s13] =	ssyncadd.s32 $0xFFFFE000  }
0x65: {  	_ =	swait.ge [sflag:s19], $0x6400  }
0x66: {  	[sflag:s19] =	ssyncset.done $0x0  }
0x67: {  	[sflag:s19] =	ssyncadd.s32 $0xFFFF9C00  }
0x68: {  	[tilespmem:s16], [sflag:$0x2] =	stream.indirect.gather [hbm4b:s3+s15], $0x40, s14, s15, $0xb8;
	[tilespmem:$0xE800] =	vst v63  }
0x69: {  	_ =	swait.ge [sflag:s17], $0x2000  }
0x6a: {  	[sflag:s17] =	ssyncset.done $0x0  }
0x6b: {  	s21 =	simm.s32 $0x0;
	[sflag:s17] =	ssyncadd.s32 $0xFFFFE000  }
.LBB2_14:
0x6c: {  	p0 =	sne.s32 s21, $0x18C00  }
.Ltmp6:
0x6d: {  	_ = 	snop;
	(pc) =	sbr.rel @p0 .LBB2_14-.Ltmp6, $4  }
0x6e: {  	_ = 	snop  }
0x6f: {  	s22 =	sshra.s32 s21, $0x2  }
0x70: {  	s21 =	sadd.s32 $0x200, s21;
	s22 =	sadd.s32 $0x6480, s22  }
0x71: {  	[tilespmem:s16], [sflag:$0x2] =	stream.indirect.gather.add.f32 [hbm:s3], $0x40, s22, s15, $0xb8;
	[tilespmem:$0xE800] =	vst v63  }
0x72: {  	_ =	swait.ge [sflag:s17], $0x2000  }
0x73: {  	s21 =	simm.s32 $0xC6;
	[sflag:s17] =	ssyncset.done $0x0  }
.LBB2_16:
0x74: {  	p0 =	sne.s32 s21, $0x1;
	s21 =	sadd.s32 $0xFFFFFFFF, s21;
	[sflag:s17] =	ssyncadd.s32 $0xFFFFE000  }
.Ltmp7:
0x75: {  	(pc) =	sbr.rel @p0 .LBB2_16-.Ltmp7, $3  }
0x76: {  	_ =	sdelay $0x1  }
0x77: {  	_ =	swait.ge [sflag:s17], $0x2000  }
0x78: {  	[sflag:s17] =	ssyncset.done $0x0  }
0x79: {  	s20 =	sadd.s32 $0x1, s20  }
0x7a: {  	p0 =	sne.s32 s20, s12  }
.Ltmp8:
0x7b: {  	[sflag:s17] =	ssyncadd.s32 $0xFFFFE000;
	(pc) =	sbr.rel @p0 .LBB2_1-.Ltmp8, $4  }
0x7c: {  	[hbm4b:s11+s18] =	stream.strided.scatter [tilespmem:s16], [sflag:$0x3], $0x2000, s15, s18, $0x38;
	[tilespmem:$0xE800] =	vst v63  }
0x7d: {  	_ =	swait.ge [sflag:s13], $0x2000  }
0x7e: {  	[sflag:s13] =	ssyncset.done $0x0  }
0x7f: {  	[sflag:s13] =	ssyncadd.s32 $0xFFFFE000  }
0x80: {  	_ =	sfence.sel $0x180000  }
0x81: {  	[bflag:$0x0] =	sbarrier.arrive $0xFFFF  }
0x82: {  	p0 =	sne.s32 s2, $0x0;
	_ =	strace $0x90000047  }
0x83: {  	s0 =	sadd.s32 @!p0 $0x100000, s0;
	[bflag:$0x2] =	sbarrier.arrive $0xFFFF  }
0x84: {  	[sflag:s0] =	ssyncadd.tile.s32 @!p0 $0x1;
	_ =	shalt  }
.Lfunc_end2:
_tile_overlayer_lowered:
.L_overlay_start_2:
0x85: {  	(tag) =	ssettag $0x2  }
0x86: {  	s0 =	rddreg [dreg:$0x0];
	s2 =	stileid.u32  }
0x87: {  	s1 =	rddreg [dreg:$0x1];
	p0 =	sne.s32 s2, $0x0  }
0x88: {  	s3 =	rddreg [dreg:$0x2];
	[bflag:$0x3] =	sbarrier.arrive $0xFFFF;
	s2 =	simm.s32 @!p0 $0x1C03  }
0x89: {  	[timem:s3], [sflag:s2] =	dma.local @!p0 [hbm:s0], s1  }
0x8a: {  	s0 =	simm.s32 @!p0 $0x3  }
0x8b: {  	_ =	swait.ge @!p0 [sflag:s0], s1  }
0x8c: {  	s1 =	ssub.s32 @!p0 $0x0, s1;
	[sflag:s0] =	ssyncset.done @!p0 $0x0  }
0x8d: {  	[sflag:s0] =	ssyncadd.s32 @!p0 s1  }
0x8e: {  	[bflag:$0x3] =	sbarrier.arrive $0xFFFF  }
0x8f: {  	_ =	shalt  }

</sc_bundles>
